<compile_context>
chip_gen: v7x
topology: tpu7x:2x2x1
jax: 0.10.2.dev20260603
libtpu: 0.0.44.dev20260713+nightly
codegen_flags: <defaults>
</compile_context>

<pallas_src>
import jax
import jax.numpy as jnp
from jax.experimental import pallas as pl
from jax.experimental.pallas import tpu as pltpu
import jax.experimental.pallas.tpu_sc as plsc

L = 160
DIN = L * 8
BB = 1024
GW = 256
TABW = 484 * 8


def _sc_gather_feat(comb, fused_flat):
    M = comb.shape[0]
    mesh = plsc.VectorSubcoreMesh(core_axis_name="core",
                                  subcore_axis_name="subcore")

    @pl.kernel(out_type=jax.ShapeDtypeStruct((8, M), jnp.float32), mesh=mesh,
               compiler_params=pltpu.CompilerParams(needs_layout_passes=False))
    def k(tab_hbm, i_hbm, o_hbm):
        def body(tab_v, i_vmem, o_vmem):
            @pl.loop(0, GW, step=16)
            def _(kk):
                base = i_vmem[pl.ds(kk, 16)] * 8
                for j in range(8):
                    o_vmem[j, pl.ds(kk, 16)] = plsc.load_gather(
                        tab_v, [base + j])

        pltpu.emit_pipeline(
            body,
            grid=(M // GW,),
            in_specs=[pl.BlockSpec((TABW,), index_map=lambda i: (0,)),
                      pl.BlockSpec((GW,), index_map=lambda i: (i,))],
            out_specs=[pl.BlockSpec((8, GW), index_map=lambda i: (0, i))],
            core_axis_name=("core", "subcore"),
            dimension_semantics=(pltpu.PARALLEL,),
        )(tab_hbm, i_hbm, o_hbm)

    return k(fused_flat, comb)


def _mlp_kernel(feat8_ref, w1_ref, b1_ref, w2_ref, b2_ref, out_ref, feat_ref):
    for j in range(8):
        feat_ref[:, j * L:(j + 1) * L] = feat8_ref[j].astype(jnp.bfloat16)
    feat = feat_ref[...]
    h = jnp.dot(feat, w1_ref[...], preferred_element_type=jnp.float32)
    h = jnp.maximum(h + b1_ref[...], 0.0).astype(jnp.bfloat16)
    out = jnp.dot(h, w2_ref[...], preferred_element_type=jnp.float32)
    out_ref[...] = out + b2_ref[...]


@jax.jit
def kernel(frac_app_idx, all_true_idx, all_false_idx, frac_tf_idx,
           frac_app_tab, true_tab, false_tab, frac_tf_tab,
           W1, b1, W2, b2):
    B = frac_app_idx.shape[0]
    H2 = W1.shape[1]
    H = W2.shape[1]
    bb = min(BB, B)

    parts = [
        jnp.broadcast_to(frac_app_tab[:, None, None, None, :], (11, 2, 2, 11, 2)),
        jnp.broadcast_to(true_tab[None, :, None, None, :], (11, 2, 2, 11, 2)),
        jnp.broadcast_to(false_tab[None, None, :, None, :], (11, 2, 2, 11, 2)),
        jnp.broadcast_to(frac_tf_tab[None, None, None, :, :], (11, 2, 2, 11, 2)),
    ]
    fused_flat = jnp.concatenate(parts, axis=-1).reshape(TABW)

    comb = (((frac_app_idx * 2 + all_true_idx) * 2 + all_false_idx) * 11
            + frac_tf_idx).reshape(B * L).astype(jnp.int32)

    feat8 = _sc_gather_feat(comb, fused_flat).reshape(8, B, L)

    W1p = (W1.reshape(4, L, 2, H2).transpose(0, 2, 1, 3)
           .reshape(DIN, H2).astype(jnp.bfloat16))
    W2b = W2.astype(jnp.bfloat16)

    out = pl.pallas_call(
        _mlp_kernel,
        grid=(B // bb,),
        in_specs=[
            pl.BlockSpec((8, bb, L), lambda i: (0, i, 0)),
            pl.BlockSpec((DIN, H2), lambda i: (0, 0)),
            pl.BlockSpec((1, H2), lambda i: (0, 0)),
            pl.BlockSpec((H2, H), lambda i: (0, 0)),
            pl.BlockSpec((1, H), lambda i: (0, 0)),
        ],
        out_specs=pl.BlockSpec((bb, H), lambda i: (i, 0)),
        out_shape=jax.ShapeDtypeStruct((B, H), jnp.float32),
        scratch_shapes=[pltpu.VMEM((bb, DIN), jnp.bfloat16)],
    )(feat8, W1p, b1.reshape(1, H2), W2b, b2.reshape(1, H))
    return out

# --- scband reference (transcript-rebuilt; emitter-appended) ---
"""Pipeline reference for scband-lambda-sig-value-encoder-24781961298107 (READ-ONLY COPY).

The authoritative reference and input builder live on the scoring server;
editing this copy changes nothing except your own understanding.
"""

import jax, jax.numpy as jnp
import numpy as np

B = 16384
L = 160  # len_signature
H = 512  # hidden_size
DIN = L * 4 * 2

def setup_inputs(seed: int = 0) -> dict:
    key = jax.random.key(seed)
    ks = jax.random.split(key, 10)
    frac_app_idx = jax.random.randint(ks[0], (B, L), 0, 11)
    all_true_idx = jax.random.randint(ks[1], (B, L), 0, 2)
    all_false_idx = jax.random.randint(ks[2], (B, L), 0, 2)
    frac_tf_idx = jax.random.randint(ks[3], (B, L), 0, 11)
    frac_app_tab = jax.random.normal(ks[4], (11, 2), dtype=jnp.float32)
    true_tab = jax.random.normal(ks[5], (2, 2), dtype=jnp.float32)
    false_tab = jax.random.normal(ks[6], (2, 2), dtype=jnp.float32)
    frac_tf_tab = jax.random.normal(ks[7], (11, 2), dtype=jnp.float32)
    W1 = jax.random.normal(ks[8], (DIN, 2 * H), dtype=jnp.float32) * (1.0 / np.sqrt(DIN))
    b1 = jnp.zeros((2 * H,), dtype=jnp.float32)
    W2 = jax.random.normal(ks[9], (2 * H, H), dtype=jnp.float32) * (1.0 / np.sqrt(2 * H))
    b2 = jnp.zeros((H,), dtype=jnp.float32)
    return {
        "frac_app_idx": frac_app_idx,
        "all_true_idx": all_true_idx,
        "all_false_idx": all_false_idx,
        "frac_tf_idx": frac_tf_idx,
        "frac_app_tab": frac_app_tab,
        "true_tab": true_tab,
        "false_tab": false_tab,
        "frac_tf_tab": frac_tf_tab,
        "W1": W1,
        "b1": b1,
        "W2": W2,
        "b2": b2,
    }

def reference(frac_app_idx, all_true_idx, all_false_idx, frac_tf_idx,
              frac_app_tab, true_tab, false_tab, frac_tf_tab,
              W1, b1, W2, b2):
    # LambdaSignature.forward: four embedding lookups, each reshaped to [B, L*2], concatenated.
    e1 = jnp.take(frac_app_tab, frac_app_idx, axis=0).reshape(-1, L * 2)
    e2 = jnp.take(true_tab, all_true_idx, axis=0).reshape(-1, L * 2)
    e3 = jnp.take(false_tab, all_false_idx, axis=0).reshape(-1, L * 2)
    e4 = jnp.take(frac_tf_tab, frac_tf_idx, axis=0).reshape(-1, L * 2)
    feat = jnp.concatenate([e1, e2, e3, e4], axis=-1)  # [B, L*8]
    # LambdaSigValueEncoder MLP: Linear(L*8, 2H) -> ReLU -> Linear(2H, H)
    h = jax.nn.relu(feat @ W1 + b1)
    out = h @ W2 + b2
    return out

if __name__ == "__main__":
    import jax
    _d = setup_inputs()
    print(jax.jit(kernel)(*tuple(_d.values())))

</pallas_src>

<mosaic_0001>
#map = affine_map<(d0, d1) -> (0)>
#map1 = affine_map<(d0, d1) -> (0, 0)>
module attributes {stable_mosaic.version = 14 : i64} {
  func.func @k(%arg0: i32, %arg1: i32, %arg2: memref<3872xf32, #tpu.memory_space<hbm>>, %arg3: memref<2621440xi32, #tpu.memory_space<hbm>>, %arg4: memref<8x2621440xf32, #tpu.memory_space<hbm>>) attributes {dimension_semantics = [#tpu.dimension_semantics<core_parallel>, #tpu.dimension_semantics<subcore_parallel>], iteration_bounds = array<i64: 2, 16>, scalar_prefetch = 0 : i64, scratch_operands = 0 : i64, tpu.core_type = #tpu.core_type<sc_vector_subcore>, window_params = [{transform_indices = #map}, {transform_indices = #map}, {transform_indices = #map1}]} {
    %mul3A = arith.constant 1 : i32
    %mul3A_0 = arith.muli %arg1, %mul3A : i32
    %add3A = arith.constant 0 : i32
    %add3A_1 = arith.addi %add3A, %mul3A_0 : i32
    %mul3A_2 = arith.constant 16 : i32
    %mul3A_3 = arith.muli %arg0, %mul3A_2 : i32
    %add3A_4 = arith.addi %add3A_1, %mul3A_3 : i32
    %mul3A_5 = arith.constant 320 : i32
    %mul3A_6 = arith.muli %add3A_4, %mul3A_5 : i32
    "tpu.region"() ({
      %run_scoped3A = memref.alloca() : memref<3872xf32, #tpu.memory_space<vmem>>
      %run_scoped3A_7 = memref.alloca() : memref<512xi32, #tpu.memory_space<vmem>>
      %run_scoped3A_8 = tpu.sem_alloc : memref<2x!tpu.dma_semaphore, #tpu.memory_space<semaphore_mem>>
      %run_scoped3A_9 = memref.alloca() : memref<2x8x256xf32, #tpu.memory_space<vmem>>
      %run_scoped3A_10 = tpu.sem_alloc : memref<2x!tpu.dma_semaphore, #tpu.memory_space<semaphore_mem>>
      %add3A_11 = arith.constant 0 : i32
      %add3A_12 = arith.addi %add3A_11, %mul3A_6 : i32
      %select_n3A = arith.constant true
      %select_n3A_13 = arith.constant 0 : i32
      %select_n3A_14 = arith.constant -1 : i32
      %select_n3A_15 = arith.select %select_n3A, %select_n3A_14, %select_n3A_13 : i32
      %eq3A = arith.constant -1 : i32
      %eq3A_16 = arith.cmpi eq, %select_n3A_15, %eq3A : i32
      %select_n3A_17 = arith.constant 319 : i32
      %select_n3A_18 = arith.select %eq3A_16, %select_n3A_17, %select_n3A_15 : i32
      %add3A_19 = arith.addi %select_n3A_18, %mul3A_6 : i32
      %select_n3A_20 = arith.constant true
      %select_n3A_21 = arith.constant 0 : i32
      %select_n3A_22 = arith.constant 1 : i32
      %select_n3A_23 = arith.select %select_n3A_20, %select_n3A_22, %select_n3A_21 : i32
      %eq3A_24 = arith.constant 320 : i32
      %eq3A_25 = arith.cmpi eq, %select_n3A_23, %eq3A_24 : i32
      %select_n3A_26 = arith.constant 0 : i32
      %select_n3A_27 = arith.select %eq3A_25, %select_n3A_26, %select_n3A_23 : i32
      %add3A_28 = arith.addi %select_n3A_27, %mul3A_6 : i32
      %add3A_29 = arith.constant 1 : i32
      %add3A_30 = arith.addi %select_n3A_27, %add3A_29 : i32
      %select_n3A_31 = arith.constant true
      %select_n3A_32 = arith.select %select_n3A_31, %add3A_30, %select_n3A_27 : i32
      %eq3A_33 = arith.constant 320 : i32
      %eq3A_34 = arith.cmpi eq, %select_n3A_32, %eq3A_33 : i32
      %select_n3A_35 = arith.constant 0 : i32
      %select_n3A_36 = arith.select %eq3A_34, %select_n3A_35, %select_n3A_32 : i32
      %add3A_37 = arith.addi %select_n3A_36, %mul3A_6 : i32
      "tpu.region"() ({
        %run_scoped3A_120 = tpu.sem_alloc : memref<!tpu.dma_semaphore, #tpu.memory_space<semaphore_mem>>
        tpu.enqueue_dma source(%arg2 : memref<3872xf32, #tpu.memory_space<hbm>>) target(%run_scoped3A : memref<3872xf32, #tpu.memory_space<vmem>>) target_semaphore(%run_scoped3A_120 : memref<!tpu.dma_semaphore, #tpu.memory_space<semaphore_mem>>)
        tpu.wait_dma2 semaphore(%run_scoped3A_120 : memref<!tpu.dma_semaphore, #tpu.memory_space<semaphore_mem>>) src(%arg2 : memref<3872xf32, #tpu.memory_space<hbm>>) dst(%run_scoped3A : memref<3872xf32, #tpu.memory_space<vmem>>)
        tpu.yield
      }) : () -> ()
      "tpu.trace_start"() <{level = 10 : i32, message = "ep_initialize_0"}> : () -> ()
      %rem3A = arith.constant 0 : i32
      %rem3A_38 = arith.constant 2 : i32
      %rem3A_39 = arith.remui %rem3A, %rem3A_38 : i32
      %mul3A_40 = arith.constant 256 : i32
      %mul3A_41 = arith.muli %mul3A_40, %add3A_12 : i32
      %mul3A_42 = arith.constant 256 : i32
      %mul3A_43 = arith.muli %rem3A_39, %mul3A_42 : i32
      %add3A_44 = arith.constant 0 : i32
      %add3A_45 = arith.addi %mul3A_43, %add3A_44 : i32
      %dma_start3A = tpu.memref_slice %run_scoped3A_7[%add3A_45] : memref<512xi32, #tpu.memory_space<vmem>> -> memref<256xi32, #tpu.memory_space<vmem>>
      %dma_start3A_46 = tpu.memref_slice %arg3[%mul3A_41] : memref<2621440xi32, #tpu.memory_space<hbm>> -> memref<256xi32, #tpu.memory_space<hbm>>
      %dma_start3A_47 = tpu.memref_slice %run_scoped3A_8[%rem3A_39] : memref<2x!tpu.dma_semaphore, #tpu.memory_space<semaphore_mem>> -> memref<1x!tpu.dma_semaphore, #tpu.memory_space<semaphore_mem>>
      %dma_start3A_48 = tpu.memref_squeeze %dma_start3A_47 : memref<1x!tpu.dma_semaphore, #tpu.memory_space<semaphore_mem>> -> memref<!tpu.dma_semaphore, #tpu.memory_space<semaphore_mem>>
      %dma_start3A_49 = tpu.memref_slice %run_scoped3A_7[%add3A_45] : memref<512xi32, #tpu.memory_space<vmem>> -> memref<256xi32, #tpu.memory_space<vmem>>
      %dma_start3A_50 = tpu.memref_slice %arg3[%mul3A_41] : memref<2621440xi32, #tpu.memory_space<hbm>> -> memref<256xi32, #tpu.memory_space<hbm>>
      tpu.enqueue_dma source(%dma_start3A_50 : memref<256xi32, #tpu.memory_space<hbm>>) target(%dma_start3A_49 : memref<256xi32, #tpu.memory_space<vmem>>) target_semaphore(%dma_start3A_48 : memref<!tpu.dma_semaphore, #tpu.memory_space<semaphore_mem>>)
      %add3A_51 = arith.constant 0 : i32
      %add3A_52 = arith.constant 1 : i32
      %add3A_53 = arith.addi %add3A_51, %add3A_52 : i32
      %select_n3A_54 = arith.constant true
      %select_n3A_55 = arith.constant 0 : i32
      %select_n3A_56 = arith.select %select_n3A_54, %add3A_53, %select_n3A_55 : i32
      "tpu.trace_stop"() : () -> ()
      %scan3A = arith.constant 0 : i32
      %scan3A_57 = arith.constant 0 : i32
      %scan3A_58 = arith.constant 0 : i32
      %scan3A_59 = arith.constant 0 : i32
      %scan3A_60 = arith.constant 0 : i32
      %scan3A_61 = arith.constant 0 : i32
      %scan3A_62 = arith.constant 0 : i32
      %scan3A_63 = arith.constant 320 : i32
      %scan3A_64 = arith.addi %scan3A_62, %scan3A_63 : i32
      %scan3A_65 = arith.constant 1 : i32
      %scan3A_66:6 = scf.for %scan3A_120 = %scan3A_62 to %scan3A_64 step %scan3A_65 iter_args(%scan3A_121 = %scan3A_57, %scan3A_122 = %select_n3A_56, %scan3A_123 = %scan3A_58, %scan3A_124 = %scan3A_59, %scan3A_125 = %scan3A_60, %scan3A_126 = %scan3A_61) -> (i32, i32, i32, i32, i32, i32)  : i32 {
        %eq3A_127 = arith.constant 0 : i32
        %eq3A_128 = arith.cmpi eq, %scan3A_120, %eq3A_127 : i32
        %eq3A_129 = arith.constant 319 : i32
        %eq3A_130 = arith.cmpi eq, %scan3A_120, %eq3A_129 : i32
        %add3A_131 = arith.addi %scan3A_126, %mul3A_6 : i32
        %sub3A_132 = arith.constant 1 : i32
        %sub3A_133 = arith.subi %scan3A_126, %sub3A_132 : i32
        %select_n3A_134 = arith.constant true
        %select_n3A_135 = arith.select %select_n3A_134, %sub3A_133, %scan3A_126 : i32
        %eq3A_136 = arith.constant -1 : i32
        %eq3A_137 = arith.cmpi eq, %select_n3A_135, %eq3A_136 : i32
        %select_n3A_138 = arith.constant 319 : i32
        %select_n3A_139 = arith.select %eq3A_137, %select_n3A_138, %select_n3A_135 : i32
        %add3A_140 = arith.addi %select_n3A_139, %mul3A_6 : i32
        %add3A_141 = arith.constant 1 : i32
        %add3A_142 = arith.addi %scan3A_126, %add3A_141 : i32
        %select_n3A_143 = arith.constant true
        %select_n3A_144 = arith.select %select_n3A_143, %add3A_142, %scan3A_126 : i32
        %eq3A_145 = arith.constant 320 : i32
        %eq3A_146 = arith.cmpi eq, %select_n3A_144, %eq3A_145 : i32
        %select_n3A_147 = arith.constant 0 : i32
        %select_n3A_148 = arith.select %eq3A_146, %select_n3A_147, %select_n3A_144 : i32
        %add3A_149 = arith.addi %select_n3A_148, %mul3A_6 : i32
        %add3A_150 = arith.constant 1 : i32
        %add3A_151 = arith.addi %select_n3A_148, %add3A_150 : i32
        %select_n3A_152 = arith.constant true
        %select_n3A_153 = arith.select %select_n3A_152, %add3A_151, %select_n3A_148 : i32
        %eq3A_154 = arith.constant 320 : i32
        %eq3A_155 = arith.cmpi eq, %select_n3A_153, %eq3A_154 : i32
        %select_n3A_156 = arith.constant 0 : i32
        %select_n3A_157 = arith.select %eq3A_155, %select_n3A_156, %select_n3A_153 : i32
        %add3A_158 = arith.addi %select_n3A_157, %mul3A_6 : i32
        %ne3A = arith.cmpi ne, %add3A_131, %add3A_149 : i32
        %or3A = arith.constant false
        %or3A_159 = arith.ori %or3A, %ne3A : i1
        %ge3A = arith.constant 319 : i32
        %ge3A_160 = arith.cmpi sge, %scan3A_120, %ge3A : i32
        %not3A = arith.constant true
        %not3A_161 = arith.xori %ge3A_160, %not3A : i1
        %and3A = arith.andi %or3A_159, %not3A_161 : i1
        %convert_element_type3A = arith.extui %and3A : i1 to i32
        %cond3A = arith.constant 0 : i32
        %cond3A_162 = arith.cmpi ne, %convert_element_type3A, %cond3A : i32
        scf.if %cond3A_162 {
          "tpu.trace_start"() <{level = 10 : i32, message = "ep_copy_in"}> : () -> ()
          %rem3A_267 = arith.constant 2 : i32
          %rem3A_268 = arith.remui %scan3A_122, %rem3A_267 : i32
          %mul3A_269 = arith.constant 256 : i32
          %mul3A_270 = arith.muli %mul3A_269, %add3A_149 : i32
          %mul3A_271 = arith.constant 256 : i32
          %mul3A_272 = arith.muli %rem3A_268, %mul3A_271 : i32
          %add3A_273 = arith.constant 0 : i32
          %add3A_274 = arith.addi %mul3A_272, %add3A_273 : i32
          %dma_start3A_275 = tpu.memref_slice %run_scoped3A_7[%add3A_274] : memref<512xi32, #tpu.memory_space<vmem>> -> memref<256xi32, #tpu.memory_space<vmem>>
          %dma_start3A_276 = tpu.memref_slice %arg3[%mul3A_270] : memref<2621440xi32, #tpu.memory_space<hbm>> -> memref<256xi32, #tpu.memory_space<hbm>>
          %dma_start3A_277 = tpu.memref_slice %run_scoped3A_8[%rem3A_268] : memref<2x!tpu.dma_semaphore, #tpu.memory_space<semaphore_mem>> -> memref<1x!tpu.dma_semaphore, #tpu.memory_space<semaphore_mem>>
          %dma_start3A_278 = tpu.memref_squeeze %dma_start3A_277 : memref<1x!tpu.dma_semaphore, #tpu.memory_space<semaphore_mem>> -> memref<!tpu.dma_semaphore, #tpu.memory_space<semaphore_mem>>
          %dma_start3A_279 = tpu.memref_slice %run_scoped3A_7[%add3A_274] : memref<512xi32, #tpu.memory_space<vmem>> -> memref<256xi32, #tpu.memory_space<vmem>>
          %dma_start3A_280 = tpu.memref_slice %arg3[%mul3A_270] : memref<2621440xi32, #tpu.memory_space<hbm>> -> memref<256xi32, #tpu.memory_space<hbm>>
          tpu.enqueue_dma source(%dma_start3A_280 : memref<256xi32, #tpu.memory_space<hbm>>) target(%dma_start3A_279 : memref<256xi32, #tpu.memory_space<vmem>>) target_semaphore(%dma_start3A_278 : memref<!tpu.dma_semaphore, #tpu.memory_space<semaphore_mem>>)
          "tpu.trace_stop"() : () -> ()
        } else {
        }
        %and3A_163 = arith.constant true
        %and3A_164 = arith.andi %and3A, %and3A_163 : i1
        %add3A_165 = arith.constant 1 : i32
        %add3A_166 = arith.addi %scan3A_122, %add3A_165 : i32
        %select_n3A_167 = arith.select %and3A_164, %add3A_166, %scan3A_122 : i32
        %ne3A_168 = arith.cmpi ne, %add3A_131, %add3A_149 : i32
        %or3A_169 = arith.constant false
        %or3A_170 = arith.ori %or3A_169, %ne3A_168 : i1
        %ge3A_171 = arith.constant 319 : i32
        %ge3A_172 = arith.cmpi sge, %scan3A_120, %ge3A_171 : i32
        %not3A_173 = arith.constant true
        %not3A_174 = arith.xori %ge3A_172, %not3A_173 : i1
        %and3A_175 = arith.andi %or3A_170, %not3A_174 : i1
        %ne3A_176 = arith.cmpi ne, %add3A_131, %add3A_140 : i32
        %or3A_177 = arith.constant false
        %or3A_178 = arith.ori %or3A_177, %ne3A_176 : i1
        %or3A_179 = arith.ori %or3A_178, %eq3A_128 : i1
        %convert_element_type3A_180 = arith.extui %or3A_179 : i1 to i32
        %cond3A_181 = arith.constant 0 : i32
        %cond3A_182 = arith.cmpi ne, %convert_element_type3A_180, %cond3A_181 : i32
        scf.if %cond3A_182 {
          "tpu.trace_start"() <{level = 10 : i32, message = "ep_wait_in"}> : () -> ()
          %mul3A_267 = arith.constant 256 : i32
          %mul3A_268 = arith.muli %mul3A_267, %add3A_131 : i32
          %rem3A_269 = arith.constant 2 : i32
          %rem3A_270 = arith.remui %scan3A_123, %rem3A_269 : i32
          %mul3A_271 = arith.constant 256 : i32
          %mul3A_272 = arith.muli %rem3A_270, %mul3A_271 : i32
          %add3A_273 = arith.constant 0 : i32
          %add3A_274 = arith.addi %mul3A_272, %add3A_273 : i32
          %dma_wait3A_275 = tpu.memref_slice %run_scoped3A_7[%add3A_274] : memref<512xi32, #tpu.memory_space<vmem>> -> memref<256xi32, #tpu.memory_space<vmem>>
          %dma_wait3A_276 = tpu.memref_slice %arg3[%mul3A_268] : memref<2621440xi32, #tpu.memory_space<hbm>> -> memref<256xi32, #tpu.memory_space<hbm>>
          %dma_wait3A_277 = tpu.memref_slice %run_scoped3A_8[%rem3A_270] : memref<2x!tpu.dma_semaphore, #tpu.memory_space<semaphore_mem>> -> memref<1x!tpu.dma_semaphore, #tpu.memory_space<semaphore_mem>>
          %dma_wait3A_278 = tpu.memref_squeeze %dma_wait3A_277 : memref<1x!tpu.dma_semaphore, #tpu.memory_space<semaphore_mem>> -> memref<!tpu.dma_semaphore, #tpu.memory_space<semaphore_mem>>
          %dma_wait3A_279 = tpu.memref_slice %run_scoped3A_7[%add3A_274] : memref<512xi32, #tpu.memory_space<vmem>> -> memref<256xi32, #tpu.memory_space<vmem>>
          %dma_wait3A_280 = tpu.memref_slice %arg3[%mul3A_268] : memref<2621440xi32, #tpu.memory_space<hbm>> -> memref<256xi32, #tpu.memory_space<hbm>>
          tpu.wait_dma2 semaphore(%dma_wait3A_278 : memref<!tpu.dma_semaphore, #tpu.memory_space<semaphore_mem>>) src(%dma_wait3A_280 : memref<256xi32, #tpu.memory_space<hbm>>) dst(%dma_wait3A_279 : memref<256xi32, #tpu.memory_space<vmem>>)
          "tpu.trace_stop"() : () -> ()
        } else {
        }
        %ne3A_183 = arith.cmpi ne, %add3A_131, %add3A_140 : i32
        %or3A_184 = arith.constant false
        %or3A_185 = arith.ori %or3A_184, %ne3A_183 : i1
        %or3A_186 = arith.ori %or3A_185, %eq3A_128 : i1
        %convert_element_type3A_187 = arith.extui %or3A_186 : i1 to i32
        %cond3A_188 = arith.constant 0 : i32
        %cond3A_189 = arith.cmpi ne, %convert_element_type3A_187, %cond3A_188 : i32
        scf.if %cond3A_189 {
        } else {
        }
        %rem3A_190 = arith.constant 2 : i32
        %rem3A_191 = arith.remui %scan3A_123, %rem3A_190 : i32
        %mul3A_192 = arith.constant 256 : i32
        %mul3A_193 = arith.muli %rem3A_191, %mul3A_192 : i32
        %rem3A_194 = arith.constant 2 : i32
        %rem3A_195 = arith.remui %scan3A_124, %rem3A_194 : i32
        "tpu.trace_start"() <{level = 10 : i32, message = "ep_run_kernel"}> : () -> ()
        %scan3A_196 = arith.constant 0 : i32
        %scan3A_197 = arith.constant 16 : i32
        %scan3A_198 = arith.addi %scan3A_196, %scan3A_197 : i32
        %scan3A_199 = arith.constant 1 : i32
        scf.for %scan3A_267 = %scan3A_196 to %scan3A_198 step %scan3A_199  : i32 {
          %mul3A_268 = arith.constant 16 : i32
          %mul3A_269 = arith.muli %scan3A_267, %mul3A_268 : i32
          %add3A_270 = arith.constant 0 : i32
          %add3A_271 = arith.addi %add3A_270, %mul3A_269 : i32
          %get3A = tpu.memref_slice %run_scoped3A_7[%mul3A_193] : memref<512xi32, #tpu.memory_space<vmem>> -> memref<256xi32, #tpu.memory_space<vmem>>
          %get3A_272 = arith.index_cast %add3A_271 : i32 to index
          %get3A_273 = tpu.vector_load %get3A[%get3A_272] {strides = array<i32>} : memref<256xi32, #tpu.memory_space<vmem>>, vector<16xi32>,
          %mul3A_274 = arith.constant 8 : i32
          %mul3A_275 = vector.broadcast %mul3A_274 : i32 to vector<16xi32>
          %mul3A_276 = arith.muli %get3A_273, %mul3A_275 : vector<16xi32>
          %add3A_277 = arith.constant 0 : i32
          %add3A_278 = vector.broadcast %add3A_277 : i32 to vector<16xi32>
          %add3A_279 = arith.addi %mul3A_276, %add3A_278 : vector<16xi32>
          %gather3A = tpu.vector_load_idx %run_scoped3A[%add3A_279] : memref<3872xf32, #tpu.memory_space<vmem>>[vector<16xi32>], vector<16xf32>,
          %swap3A = arith.constant 0 : i32
          %swap3A_280 = arith.constant 0 : i32
          %swap3A_281 = arith.constant 0 : i32
          %swap3A_282 = tpu.memref_slice %run_scoped3A_9[%rem3A_195, %swap3A_280, %swap3A_281] : memref<2x8x256xf32, #tpu.memory_space<vmem>> -> memref<1x8x256xf32, #tpu.memory_space<vmem>>
          %swap3A_283 = tpu.memref_squeeze %swap3A_282 : memref<1x8x256xf32, #tpu.memory_space<vmem>> -> memref<8x256xf32, #tpu.memory_space<vmem>>
          %swap3A_284 = arith.index_cast %swap3A : i32 to index
          %swap3A_285 = arith.index_cast %add3A_271 : i32 to index
          %swap3A_286 = tpu.vector_load %swap3A_283[%swap3A_284, %swap3A_285] {strides = array<i32>} : memref<8x256xf32, #tpu.memory_space<vmem>>, vector<16xf32>,
          tpu.vector_store %swap3A_283[%swap3A_284, %swap3A_285], %gather3A {strides = array<i32>} : memref<8x256xf32, #tpu.memory_space<vmem>>, vector<16xf32>,
          %add3A_287 = arith.constant 1 : i32
          %add3A_288 = vector.broadcast %add3A_287 : i32 to vector<16xi32>
          %add3A_289 = arith.addi %mul3A_276, %add3A_288 : vector<16xi32>
          %gather3A_290 = tpu.vector_load_idx %run_scoped3A[%add3A_289] : memref<3872xf32, #tpu.memory_space<vmem>>[vector<16xi32>], vector<16xf32>,
          %swap3A_291 = arith.constant 1 : i32
          %swap3A_292 = arith.constant 0 : i32
          %swap3A_293 = arith.constant 0 : i32
          %swap3A_294 = tpu.memref_slice %run_scoped3A_9[%rem3A_195, %swap3A_292, %swap3A_293] : memref<2x8x256xf32, #tpu.memory_space<vmem>> -> memref<1x8x256xf32, #tpu.memory_space<vmem>>
          %swap3A_295 = tpu.memref_squeeze %swap3A_294 : memref<1x8x256xf32, #tpu.memory_space<vmem>> -> memref<8x256xf32, #tpu.memory_space<vmem>>
          %swap3A_296 = arith.index_cast %swap3A_291 : i32 to index
          %swap3A_297 = arith.index_cast %add3A_271 : i32 to index
          %swap3A_298 = tpu.vector_load %swap3A_295[%swap3A_296, %swap3A_297] {strides = array<i32>} : memref<8x256xf32, #tpu.memory_space<vmem>>, vector<16xf32>,
          tpu.vector_store %swap3A_295[%swap3A_296, %swap3A_297], %gather3A_290 {strides = array<i32>} : memref<8x256xf32, #tpu.memory_space<vmem>>, vector<16xf32>,
          %add3A_299 = arith.constant 2 : i32
          %add3A_300 = vector.broadcast %add3A_299 : i32 to vector<16xi32>
          %add3A_301 = arith.addi %mul3A_276, %add3A_300 : vector<16xi32>
          %gather3A_302 = tpu.vector_load_idx %run_scoped3A[%add3A_301] : memref<3872xf32, #tpu.memory_space<vmem>>[vector<16xi32>], vector<16xf32>,
          %swap3A_303 = arith.constant 2 : i32
          %swap3A_304 = arith.constant 0 : i32
          %swap3A_305 = arith.constant 0 : i32
          %swap3A_306 = tpu.memref_slice %run_scoped3A_9[%rem3A_195, %swap3A_304, %swap3A_305] : memref<2x8x256xf32, #tpu.memory_space<vmem>> -> memref<1x8x256xf32, #tpu.memory_space<vmem>>
          %swap3A_307 = tpu.memref_squeeze %swap3A_306 : memref<1x8x256xf32, #tpu.memory_space<vmem>> -> memref<8x256xf32, #tpu.memory_space<vmem>>
          %swap3A_308 = arith.index_cast %swap3A_303 : i32 to index
          %swap3A_309 = arith.index_cast %add3A_271 : i32 to index
          %swap3A_310 = tpu.vector_load %swap3A_307[%swap3A_308, %swap3A_309] {strides = array<i32>} : memref<8x256xf32, #tpu.memory_space<vmem>>, vector<16xf32>,
          tpu.vector_store %swap3A_307[%swap3A_308, %swap3A_309], %gather3A_302 {strides = array<i32>} : memref<8x256xf32, #tpu.memory_space<vmem>>, vector<16xf32>,
          %add3A_311 = arith.constant 3 : i32
          %add3A_312 = vector.broadcast %add3A_311 : i32 to vector<16xi32>
          %add3A_313 = arith.addi %mul3A_276, %add3A_312 : vector<16xi32>
          %gather3A_314 = tpu.vector_load_idx %run_scoped3A[%add3A_313] : memref<3872xf32, #tpu.memory_space<vmem>>[vector<16xi32>], vector<16xf32>,
          %swap3A_315 = arith.constant 3 : i32
          %swap3A_316 = arith.constant 0 : i32
          %swap3A_317 = arith.constant 0 : i32
          %swap3A_318 = tpu.memref_slice %run_scoped3A_9[%rem3A_195, %swap3A_316, %swap3A_317] : memref<2x8x256xf32, #tpu.memory_space<vmem>> -> memref<1x8x256xf32, #tpu.memory_space<vmem>>
          %swap3A_319 = tpu.memref_squeeze %swap3A_318 : memref<1x8x256xf32, #tpu.memory_space<vmem>> -> memref<8x256xf32, #tpu.memory_space<vmem>>
          %swap3A_320 = arith.index_cast %swap3A_315 : i32 to index
          %swap3A_321 = arith.index_cast %add3A_271 : i32 to index
          %swap3A_322 = tpu.vector_load %swap3A_319[%swap3A_320, %swap3A_321] {strides = array<i32>} : memref<8x256xf32, #tpu.memory_space<vmem>>, vector<16xf32>,
          tpu.vector_store %swap3A_319[%swap3A_320, %swap3A_321], %gather3A_314 {strides = array<i32>} : memref<8x256xf32, #tpu.memory_space<vmem>>, vector<16xf32>,
          %add3A_323 = arith.constant 4 : i32
          %add3A_324 = vector.broadcast %add3A_323 : i32 to vector<16xi32>
          %add3A_325 = arith.addi %mul3A_276, %add3A_324 : vector<16xi32>
          %gather3A_326 = tpu.vector_load_idx %run_scoped3A[%add3A_325] : memref<3872xf32, #tpu.memory_space<vmem>>[vector<16xi32>], vector<16xf32>,
          %swap3A_327 = arith.constant 4 : i32
          %swap3A_328 = arith.constant 0 : i32
          %swap3A_329 = arith.constant 0 : i32
          %swap3A_330 = tpu.memref_slice %run_scoped3A_9[%rem3A_195, %swap3A_328, %swap3A_329] : memref<2x8x256xf32, #tpu.memory_space<vmem>> -> memref<1x8x256xf32, #tpu.memory_space<vmem>>
          %swap3A_331 = tpu.memref_squeeze %swap3A_330 : memref<1x8x256xf32, #tpu.memory_space<vmem>> -> memref<8x256xf32, #tpu.memory_space<vmem>>
          %swap3A_332 = arith.index_cast %swap3A_327 : i32 to index
          %swap3A_333 = arith.index_cast %add3A_271 : i32 to index
          %swap3A_334 = tpu.vector_load %swap3A_331[%swap3A_332, %swap3A_333] {strides = array<i32>} : memref<8x256xf32, #tpu.memory_space<vmem>>, vector<16xf32>,
          tpu.vector_store %swap3A_331[%swap3A_332, %swap3A_333], %gather3A_326 {strides = array<i32>} : memref<8x256xf32, #tpu.memory_space<vmem>>, vector<16xf32>,
          %add3A_335 = arith.constant 5 : i32
          %add3A_336 = vector.broadcast %add3A_335 : i32 to vector<16xi32>
          %add3A_337 = arith.addi %mul3A_276, %add3A_336 : vector<16xi32>
          %gather3A_338 = tpu.vector_load_idx %run_scoped3A[%add3A_337] : memref<3872xf32, #tpu.memory_space<vmem>>[vector<16xi32>], vector<16xf32>,
          %swap3A_339 = arith.constant 5 : i32
          %swap3A_340 = arith.constant 0 : i32
          %swap3A_341 = arith.constant 0 : i32
          %swap3A_342 = tpu.memref_slice %run_scoped3A_9[%rem3A_195, %swap3A_340, %swap3A_341] : memref<2x8x256xf32, #tpu.memory_space<vmem>> -> memref<1x8x256xf32, #tpu.memory_space<vmem>>
          %swap3A_343 = tpu.memref_squeeze %swap3A_342 : memref<1x8x256xf32, #tpu.memory_space<vmem>> -> memref<8x256xf32, #tpu.memory_space<vmem>>
          %swap3A_344 = arith.index_cast %swap3A_339 : i32 to index
          %swap3A_345 = arith.index_cast %add3A_271 : i32 to index
          %swap3A_346 = tpu.vector_load %swap3A_343[%swap3A_344, %swap3A_345] {strides = array<i32>} : memref<8x256xf32, #tpu.memory_space<vmem>>, vector<16xf32>,
          tpu.vector_store %swap3A_343[%swap3A_344, %swap3A_345], %gather3A_338 {strides = array<i32>} : memref<8x256xf32, #tpu.memory_space<vmem>>, vector<16xf32>,
          %add3A_347 = arith.constant 6 : i32
          %add3A_348 = vector.broadcast %add3A_347 : i32 to vector<16xi32>
          %add3A_349 = arith.addi %mul3A_276, %add3A_348 : vector<16xi32>
          %gather3A_350 = tpu.vector_load_idx %run_scoped3A[%add3A_349] : memref<3872xf32, #tpu.memory_space<vmem>>[vector<16xi32>], vector<16xf32>,
          %swap3A_351 = arith.constant 6 : i32
          %swap3A_352 = arith.constant 0 : i32
          %swap3A_353 = arith.constant 0 : i32
          %swap3A_354 = tpu.memref_slice %run_scoped3A_9[%rem3A_195, %swap3A_352, %swap3A_353] : memref<2x8x256xf32, #tpu.memory_space<vmem>> -> memref<1x8x256xf32, #tpu.memory_space<vmem>>
          %swap3A_355 = tpu.memref_squeeze %swap3A_354 : memref<1x8x256xf32, #tpu.memory_space<vmem>> -> memref<8x256xf32, #tpu.memory_space<vmem>>
          %swap3A_356 = arith.index_cast %swap3A_351 : i32 to index
          %swap3A_357 = arith.index_cast %add3A_271 : i32 to index
          %swap3A_358 = tpu.vector_load %swap3A_355[%swap3A_356, %swap3A_357] {strides = array<i32>} : memref<8x256xf32, #tpu.memory_space<vmem>>, vector<16xf32>,
          tpu.vector_store %swap3A_355[%swap3A_356, %swap3A_357], %gather3A_350 {strides = array<i32>} : memref<8x256xf32, #tpu.memory_space<vmem>>, vector<16xf32>,
          %add3A_359 = arith.constant 7 : i32
          %add3A_360 = vector.broadcast %add3A_359 : i32 to vector<16xi32>
          %add3A_361 = arith.addi %mul3A_276, %add3A_360 : vector<16xi32>
          %gather3A_362 = tpu.vector_load_idx %run_scoped3A[%add3A_361] : memref<3872xf32, #tpu.memory_space<vmem>>[vector<16xi32>], vector<16xf32>,
          %swap3A_363 = arith.constant 7 : i32
          %swap3A_364 = arith.constant 0 : i32
          %swap3A_365 = arith.constant 0 : i32
          %swap3A_366 = tpu.memref_slice %run_scoped3A_9[%rem3A_195, %swap3A_364, %swap3A_365] : memref<2x8x256xf32, #tpu.memory_space<vmem>> -> memref<1x8x256xf32, #tpu.memory_space<vmem>>
          %swap3A_367 = tpu.memref_squeeze %swap3A_366 : memref<1x8x256xf32, #tpu.memory_space<vmem>> -> memref<8x256xf32, #tpu.memory_space<vmem>>
          %swap3A_368 = arith.index_cast %swap3A_363 : i32 to index
          %swap3A_369 = arith.index_cast %add3A_271 : i32 to index
          %swap3A_370 = tpu.vector_load %swap3A_367[%swap3A_368, %swap3A_369] {strides = array<i32>} : memref<8x256xf32, #tpu.memory_space<vmem>>, vector<16xf32>,
          tpu.vector_store %swap3A_367[%swap3A_368, %swap3A_369], %gather3A_362 {strides = array<i32>} : memref<8x256xf32, #tpu.memory_space<vmem>>, vector<16xf32>,
        }
        %scan3A_200 = arith.constant 16 : i32
        "tpu.trace_stop"() : () -> ()
        %ne3A_201 = arith.cmpi ne, %add3A_131, %add3A_149 : i32
        %or3A_202 = arith.constant false
        %or3A_203 = arith.ori %or3A_202, %ne3A_201 : i1
        %or3A_204 = arith.ori %or3A_203, %eq3A_130 : i1
        %convert_element_type3A_205 = arith.extui %or3A_204 : i1 to i32
        %cond3A_206 = arith.constant 0 : i32
        %cond3A_207 = arith.cmpi ne, %convert_element_type3A_205, %cond3A_206 : i32
        scf.if %cond3A_207 {
        } else {
        }
        %and3A_208 = arith.constant false
        %and3A_209 = arith.andi %or3A_204, %and3A_208 : i1
        %ne3A_210 = arith.cmpi ne, %add3A_131, %add3A_149 : i32
        %or3A_211 = arith.constant false
        %or3A_212 = arith.ori %or3A_211, %ne3A_210 : i1
        %or3A_213 = arith.ori %or3A_212, %eq3A_130 : i1
        %convert_element_type3A_214 = arith.extui %or3A_213 : i1 to i32
        %cond3A_215 = arith.constant 0 : i32
        %cond3A_216 = arith.cmpi ne, %convert_element_type3A_214, %cond3A_215 : i32
        scf.if %cond3A_216 {
          "tpu.trace_start"() <{level = 10 : i32, message = "ep_copy_out"}> : () -> ()
          %rem3A_267 = arith.constant 2 : i32
          %rem3A_268 = arith.remui %scan3A_124, %rem3A_267 : i32
          %mul3A_269 = arith.constant 256 : i32
          %mul3A_270 = arith.muli %mul3A_269, %add3A_131 : i32
          %dma_start3A_271 = arith.constant 0 : i32
          %dma_start3A_272 = arith.constant 0 : i32
          %dma_start3A_273 = tpu.memref_slice %run_scoped3A_9[%rem3A_268, %dma_start3A_271, %dma_start3A_272] : memref<2x8x256xf32, #tpu.memory_space<vmem>> -> memref<1x8x256xf32, #tpu.memory_space<vmem>>
          %dma_start3A_274 = tpu.memref_squeeze %dma_start3A_273 : memref<1x8x256xf32, #tpu.memory_space<vmem>> -> memref<8x256xf32, #tpu.memory_space<vmem>>
          %dma_start3A_275 = arith.constant 0 : i32
          %dma_start3A_276 = tpu.memref_slice %arg4[%dma_start3A_275, %mul3A_270] : memref<8x2621440xf32, #tpu.memory_space<hbm>> -> memref<8x256xf32, #tpu.memory_space<hbm>>
          %dma_start3A_277 = tpu.memref_slice %run_scoped3A_10[%rem3A_268] : memref<2x!tpu.dma_semaphore, #tpu.memory_space<semaphore_mem>> -> memref<1x!tpu.dma_semaphore, #tpu.memory_space<semaphore_mem>>
          %dma_start3A_278 = tpu.memref_squeeze %dma_start3A_277 : memref<1x!tpu.dma_semaphore, #tpu.memory_space<semaphore_mem>> -> memref<!tpu.dma_semaphore, #tpu.memory_space<semaphore_mem>>
          %dma_start3A_279 = arith.constant 0 : i32
          %dma_start3A_280 = tpu.memref_slice %arg4[%dma_start3A_279, %mul3A_270] : memref<8x2621440xf32, #tpu.memory_space<hbm>> -> memref<8x256xf32, #tpu.memory_space<hbm>>
          %dma_start3A_281 = arith.constant 0 : i32
          %dma_start3A_282 = arith.constant 0 : i32
          %dma_start3A_283 = tpu.memref_slice %run_scoped3A_9[%rem3A_268, %dma_start3A_281, %dma_start3A_282] : memref<2x8x256xf32, #tpu.memory_space<vmem>> -> memref<1x8x256xf32, #tpu.memory_space<vmem>>
          %dma_start3A_284 = tpu.memref_squeeze %dma_start3A_283 : memref<1x8x256xf32, #tpu.memory_space<vmem>> -> memref<8x256xf32, #tpu.memory_space<vmem>>
          tpu.enqueue_dma source(%dma_start3A_284 : memref<8x256xf32, #tpu.memory_space<vmem>>) target(%dma_start3A_280 : memref<8x256xf32, #tpu.memory_space<hbm>>) target_semaphore(%dma_start3A_278 : memref<!tpu.dma_semaphore, #tpu.memory_space<semaphore_mem>>)
          "tpu.trace_stop"() : () -> ()
        } else {
        }
        %and3A_217 = arith.constant true
        %and3A_218 = arith.andi %or3A_213, %and3A_217 : i1
        %add3A_219 = arith.constant 1 : i32
        %add3A_220 = arith.addi %scan3A_124, %add3A_219 : i32
        %select_n3A_221 = arith.select %and3A_218, %add3A_220, %scan3A_124 : i32
        %ne3A_222 = arith.cmpi ne, %add3A_131, %add3A_140 : i32
        %or3A_223 = arith.constant false
        %or3A_224 = arith.ori %or3A_223, %ne3A_222 : i1
        %not3A_225 = arith.constant true
        %not3A_226 = arith.xori %eq3A_128, %not3A_225 : i1
        %and3A_227 = arith.andi %or3A_224, %not3A_226 : i1
        %convert_element_type3A_228 = arith.extui %and3A_227 : i1 to i32
        %cond3A_229 = arith.constant 0 : i32
        %cond3A_230 = arith.cmpi ne, %convert_element_type3A_228, %cond3A_229 : i32
        scf.if %cond3A_230 {
        } else {
        }
        %and3A_231 = arith.constant false
        %and3A_232 = arith.andi %and3A_227, %and3A_231 : i1
        %ne3A_233 = arith.cmpi ne, %add3A_131, %add3A_140 : i32
        %or3A_234 = arith.constant false
        %or3A_235 = arith.ori %or3A_234, %ne3A_233 : i1
        %not3A_236 = arith.constant true
        %not3A_237 = arith.xori %eq3A_128, %not3A_236 : i1
        %and3A_238 = arith.andi %or3A_235, %not3A_237 : i1
        %convert_element_type3A_239 = arith.extui %and3A_238 : i1 to i32
        %cond3A_240 = arith.constant 0 : i32
        %cond3A_241 = arith.cmpi ne, %convert_element_type3A_239, %cond3A_240 : i32
        scf.if %cond3A_241 {
          "tpu.trace_start"() <{level = 10 : i32, message = "ep_wait_out"}> : () -> ()
          %rem3A_267 = arith.constant 2 : i32
          %rem3A_268 = arith.remui %scan3A_125, %rem3A_267 : i32
          %mul3A_269 = arith.constant 256 : i32
          %mul3A_270 = arith.muli %mul3A_269, %add3A_140 : i32
          %dma_wait3A_271 = arith.constant 0 : i32
          %dma_wait3A_272 = arith.constant 0 : i32
          %dma_wait3A_273 = tpu.memref_slice %run_scoped3A_9[%rem3A_268, %dma_wait3A_271, %dma_wait3A_272] : memref<2x8x256xf32, #tpu.memory_space<vmem>> -> memref<1x8x256xf32, #tpu.memory_space<vmem>>
          %dma_wait3A_274 = tpu.memref_squeeze %dma_wait3A_273 : memref<1x8x256xf32, #tpu.memory_space<vmem>> -> memref<8x256xf32, #tpu.memory_space<vmem>>
          %dma_wait3A_275 = arith.constant 0 : i32
          %dma_wait3A_276 = tpu.memref_slice %arg4[%dma_wait3A_275, %mul3A_270] : memref<8x2621440xf32, #tpu.memory_space<hbm>> -> memref<8x256xf32, #tpu.memory_space<hbm>>
          %dma_wait3A_277 = tpu.memref_slice %run_scoped3A_10[%rem3A_268] : memref<2x!tpu.dma_semaphore, #tpu.memory_space<semaphore_mem>> -> memref<1x!tpu.dma_semaphore, #tpu.memory_space<semaphore_mem>>
          %dma_wait3A_278 = tpu.memref_squeeze %dma_wait3A_277 : memref<1x!tpu.dma_semaphore, #tpu.memory_space<semaphore_mem>> -> memref<!tpu.dma_semaphore, #tpu.memory_space<semaphore_mem>>
          %dma_wait3A_279 = arith.constant 0 : i32
          %dma_wait3A_280 = tpu.memref_slice %arg4[%dma_wait3A_279, %mul3A_270] : memref<8x2621440xf32, #tpu.memory_space<hbm>> -> memref<8x256xf32, #tpu.memory_space<hbm>>
          %dma_wait3A_281 = arith.constant 0 : i32
          %dma_wait3A_282 = arith.constant 0 : i32
          %dma_wait3A_283 = tpu.memref_slice %run_scoped3A_9[%rem3A_268, %dma_wait3A_281, %dma_wait3A_282] : memref<2x8x256xf32, #tpu.memory_space<vmem>> -> memref<1x8x256xf32, #tpu.memory_space<vmem>>
          %dma_wait3A_284 = tpu.memref_squeeze %dma_wait3A_283 : memref<1x8x256xf32, #tpu.memory_space<vmem>> -> memref<8x256xf32, #tpu.memory_space<vmem>>
          tpu.wait_dma2 semaphore(%dma_wait3A_278 : memref<!tpu.dma_semaphore, #tpu.memory_space<semaphore_mem>>) src(%dma_wait3A_284 : memref<8x256xf32, #tpu.memory_space<vmem>>) dst(%dma_wait3A_280 : memref<8x256xf32, #tpu.memory_space<hbm>>)
          "tpu.trace_stop"() : () -> ()
        } else {
        }
        %and3A_242 = arith.constant true
        %and3A_243 = arith.andi %and3A_238, %and3A_242 : i1
        %add3A_244 = arith.constant 1 : i32
        %add3A_245 = arith.addi %scan3A_125, %add3A_244 : i32
        %select_n3A_246 = arith.select %and3A_243, %add3A_245, %scan3A_125 : i32
        %or3A_247 = arith.constant false
        %or3A_248 = arith.ori %or3A_247, %eq3A_130 : i1
        %add3A_249 = arith.constant 1 : i32
        %add3A_250 = arith.addi %scan3A_121, %add3A_249 : i32
        %select_n3A_251 = arith.select %or3A_248, %add3A_250, %scan3A_121 : i32
        %ne3A_252 = arith.cmpi ne, %add3A_131, %add3A_149 : i32
        %or3A_253 = arith.constant false
        %or3A_254 = arith.ori %or3A_253, %ne3A_252 : i1
        %or3A_255 = arith.ori %or3A_254, %eq3A_130 : i1
        %add3A_256 = arith.constant 1 : i32
        %add3A_257 = arith.addi %scan3A_123, %add3A_256 : i32
        %select_n3A_258 = arith.select %or3A_255, %add3A_257, %scan3A_123 : i32
        %add3A_259 = arith.constant 1 : i32
        %add3A_260 = arith.addi %scan3A_126, %add3A_259 : i32
        %select_n3A_261 = arith.constant true
        %select_n3A_262 = arith.select %select_n3A_261, %add3A_260, %scan3A_126 : i32
        %eq3A_263 = arith.constant 320 : i32
        %eq3A_264 = arith.cmpi eq, %select_n3A_262, %eq3A_263 : i32
        %select_n3A_265 = arith.constant 0 : i32
        %select_n3A_266 = arith.select %eq3A_264, %select_n3A_265, %select_n3A_262 : i32
        scf.yield %select_n3A_251, %select_n3A_167, %select_n3A_258, %select_n3A_221, %select_n3A_246, %select_n3A_266 : i32, i32, i32, i32, i32, i32
      }
      %scan3A_67 = arith.constant 320 : i32
      %sub3A = arith.constant 1 : i32
      %sub3A_68 = arith.subi %scan3A_66#5, %sub3A : i32
      %select_n3A_69 = arith.constant true
      %select_n3A_70 = arith.select %select_n3A_69, %sub3A_68, %scan3A_66#5 : i32
      %eq3A_71 = arith.constant -1 : i32
      %eq3A_72 = arith.cmpi eq, %select_n3A_70, %eq3A_71 : i32
      %select_n3A_73 = arith.constant 319 : i32
      %select_n3A_74 = arith.select %eq3A_72, %select_n3A_73, %select_n3A_70 : i32
      %add3A_75 = arith.addi %select_n3A_74, %mul3A_6 : i32
      %sub3A_76 = arith.constant 1 : i32
      %sub3A_77 = arith.subi %select_n3A_74, %sub3A_76 : i32
      %select_n3A_78 = arith.constant true
      %select_n3A_79 = arith.select %select_n3A_78, %sub3A_77, %select_n3A_74 : i32
      %eq3A_80 = arith.constant -1 : i32
      %eq3A_81 = arith.cmpi eq, %select_n3A_79, %eq3A_80 : i32
      %select_n3A_82 = arith.constant 319 : i32
      %select_n3A_83 = arith.select %eq3A_81, %select_n3A_82, %select_n3A_79 : i32
      %add3A_84 = arith.addi %select_n3A_83, %mul3A_6 : i32
      %add3A_85 = arith.constant 1 : i32
      %add3A_86 = arith.addi %select_n3A_74, %add3A_85 : i32
      %select_n3A_87 = arith.constant true
      %select_n3A_88 = arith.select %select_n3A_87, %add3A_86, %select_n3A_74 : i32
      %eq3A_89 = arith.constant 320 : i32
      %eq3A_90 = arith.cmpi eq, %select_n3A_88, %eq3A_89 : i32
      %select_n3A_91 = arith.constant 0 : i32
      %select_n3A_92 = arith.select %eq3A_90, %select_n3A_91, %select_n3A_88 : i32
      %add3A_93 = arith.addi %select_n3A_92, %mul3A_6 : i32
      %add3A_94 = arith.constant 1 : i32
      %add3A_95 = arith.addi %select_n3A_92, %add3A_94 : i32
      %select_n3A_96 = arith.constant true
      %select_n3A_97 = arith.select %select_n3A_96, %add3A_95, %select_n3A_92 : i32
      %eq3A_98 = arith.constant 320 : i32
      %eq3A_99 = arith.cmpi eq, %select_n3A_97, %eq3A_98 : i32
      %select_n3A_100 = arith.constant 0 : i32
      %select_n3A_101 = arith.select %eq3A_99, %select_n3A_100, %select_n3A_97 : i32
      %add3A_102 = arith.addi %select_n3A_101, %mul3A_6 : i32
      "tpu.trace_start"() <{level = 10 : i32, message = "ep_finalize"}> : () -> ()
      %rem3A_103 = arith.constant 2 : i32
      %rem3A_104 = arith.remui %scan3A_66#4, %rem3A_103 : i32
      %mul3A_105 = arith.constant 256 : i32
      %mul3A_106 = arith.muli %mul3A_105, %add3A_75 : i32
      %dma_wait3A = arith.constant 0 : i32
      %dma_wait3A_107 = arith.constant 0 : i32
      %dma_wait3A_108 = tpu.memref_slice %run_scoped3A_9[%rem3A_104, %dma_wait3A, %dma_wait3A_107] : memref<2x8x256xf32, #tpu.memory_space<vmem>> -> memref<1x8x256xf32, #tpu.memory_space<vmem>>
      %dma_wait3A_109 = tpu.memref_squeeze %dma_wait3A_108 : memref<1x8x256xf32, #tpu.memory_space<vmem>> -> memref<8x256xf32, #tpu.memory_space<vmem>>
      %dma_wait3A_110 = arith.constant 0 : i32
      %dma_wait3A_111 = tpu.memref_slice %arg4[%dma_wait3A_110, %mul3A_106] : memref<8x2621440xf32, #tpu.memory_space<hbm>> -> memref<8x256xf32, #tpu.memory_space<hbm>>
      %dma_wait3A_112 = tpu.memref_slice %run_scoped3A_10[%rem3A_104] : memref<2x!tpu.dma_semaphore, #tpu.memory_space<semaphore_mem>> -> memref<1x!tpu.dma_semaphore, #tpu.memory_space<semaphore_mem>>
      %dma_wait3A_113 = tpu.memref_squeeze %dma_wait3A_112 : memref<1x!tpu.dma_semaphore, #tpu.memory_space<semaphore_mem>> -> memref<!tpu.dma_semaphore, #tpu.memory_space<semaphore_mem>>
      %dma_wait3A_114 = arith.constant 0 : i32
      %dma_wait3A_115 = tpu.memref_slice %arg4[%dma_wait3A_114, %mul3A_106] : memref<8x2621440xf32, #tpu.memory_space<hbm>> -> memref<8x256xf32, #tpu.memory_space<hbm>>
      %dma_wait3A_116 = arith.constant 0 : i32
      %dma_wait3A_117 = arith.constant 0 : i32
      %dma_wait3A_118 = tpu.memref_slice %run_scoped3A_9[%rem3A_104, %dma_wait3A_116, %dma_wait3A_117] : memref<2x8x256xf32, #tpu.memory_space<vmem>> -> memref<1x8x256xf32, #tpu.memory_space<vmem>>
      %dma_wait3A_119 = tpu.memref_squeeze %dma_wait3A_118 : memref<1x8x256xf32, #tpu.memory_space<vmem>> -> memref<8x256xf32, #tpu.memory_space<vmem>>
      tpu.wait_dma2 semaphore(%dma_wait3A_113 : memref<!tpu.dma_semaphore, #tpu.memory_space<semaphore_mem>>) src(%dma_wait3A_119 : memref<8x256xf32, #tpu.memory_space<vmem>>) dst(%dma_wait3A_115 : memref<8x256xf32, #tpu.memory_space<hbm>>)
      "tpu.trace_stop"() : () -> ()
      tpu.yield
    }) : () -> ()
    return
  }
}

module attributes {stable_mosaic.version = 14 : i64} {
  func.func @_mlp_kernel(%arg0: i32, %arg1: memref<8x1024x160xf32, #tpu.memory_space<vmem>>, %arg2: memref<1280x1024xbf16, #tpu.memory_space<vmem>>, %arg3: memref<1x1024xf32, #tpu.memory_space<vmem>>, %arg4: memref<1024x512xbf16, #tpu.memory_space<vmem>>, %arg5: memref<1x512xf32, #tpu.memory_space<vmem>>, %arg6: memref<1024x512xf32, #tpu.memory_space<vmem>>, %arg7: memref<1024x1280xbf16, #tpu.memory_space<vmem>>) attributes {dimension_semantics = [#tpu.dimension_semantics<arbitrary>], iteration_bounds = array<i64: 16>, scalar_prefetch = 0 : i64, scratch_operands = 1 : i64, tpu.core_type = #tpu.core_type<tc>, window_params = [{transform_indices = @transform_0, window_bounds = array<i64: 8, 1024, 160>}, {pipeline_mode = #tpu.pipeline_mode<synchronous>, transform_indices = @transform_1, window_bounds = array<i64: 1280, 1024>}, {pipeline_mode = #tpu.pipeline_mode<synchronous>, transform_indices = @transform_2, window_bounds = array<i64: 1, 1024>}, {pipeline_mode = #tpu.pipeline_mode<synchronous>, transform_indices = @transform_3, window_bounds = array<i64: 1024, 512>}, {pipeline_mode = #tpu.pipeline_mode<synchronous>, transform_indices = @transform_4, window_bounds = array<i64: 1, 512>}, {transform_indices = @transform_5, window_bounds = array<i64: 1024, 512>}]} {
    %get3A = arith.constant 0 : index
    %get3A_0 = arith.constant 0 : index
    %get3A_1 = arith.constant 0 : index
    %get3A_2 = vector.load %arg1[%get3A, %get3A_0, %get3A_1] : memref<8x1024x160xf32, #tpu.memory_space<vmem>>, vector<1x1024x160xf32>
    %get3A_3 = vector.shape_cast %get3A_2 : vector<1x1024x160xf32> to vector<1024x160xf32>
    %convert_element_type3A = arith.truncf %get3A_3 : vector<1024x160xf32> to vector<1024x160xbf16>
    %swap3A = arith.constant 0 : index
    %swap3A_4 = arith.constant 0 : index
    %swap3A_5 = vector.load %arg7[%swap3A, %swap3A_4] : memref<1024x1280xbf16, #tpu.memory_space<vmem>>, vector<1024x160xbf16>
    tpu.vector_store %arg7[%swap3A, %swap3A_4], %convert_element_type3A {strides = array<i32>} : memref<1024x1280xbf16, #tpu.memory_space<vmem>>, vector<1024x160xbf16>,
    %get3A_6 = arith.constant 1 : index
    %get3A_7 = arith.constant 0 : index
    %get3A_8 = arith.constant 0 : index
    %get3A_9 = vector.load %arg1[%get3A_6, %get3A_7, %get3A_8] : memref<8x1024x160xf32, #tpu.memory_space<vmem>>, vector<1x1024x160xf32>
    %get3A_10 = vector.shape_cast %get3A_9 : vector<1x1024x160xf32> to vector<1024x160xf32>
    %convert_element_type3A_11 = arith.truncf %get3A_10 : vector<1024x160xf32> to vector<1024x160xbf16>
    %swap3A_12 = arith.constant 0 : index
    %swap3A_13 = arith.constant 160 : index
    %swap3A_14 = vector.load %arg7[%swap3A_12, %swap3A_13] : memref<1024x1280xbf16, #tpu.memory_space<vmem>>, vector<1024x160xbf16>
    tpu.vector_store %arg7[%swap3A_12, %swap3A_13], %convert_element_type3A_11 {strides = array<i32>} : memref<1024x1280xbf16, #tpu.memory_space<vmem>>, vector<1024x160xbf16>,
    %get3A_15 = arith.constant 2 : index
    %get3A_16 = arith.constant 0 : index
    %get3A_17 = arith.constant 0 : index
    %get3A_18 = vector.load %arg1[%get3A_15, %get3A_16, %get3A_17] : memref<8x1024x160xf32, #tpu.memory_space<vmem>>, vector<1x1024x160xf32>
    %get3A_19 = vector.shape_cast %get3A_18 : vector<1x1024x160xf32> to vector<1024x160xf32>
    %convert_element_type3A_20 = arith.truncf %get3A_19 : vector<1024x160xf32> to vector<1024x160xbf16>
    %swap3A_21 = arith.constant 0 : index
    %swap3A_22 = arith.constant 320 : index
    %swap3A_23 = vector.load %arg7[%swap3A_21, %swap3A_22] : memref<1024x1280xbf16, #tpu.memory_space<vmem>>, vector<1024x160xbf16>
    tpu.vector_store %arg7[%swap3A_21, %swap3A_22], %convert_element_type3A_20 {strides = array<i32>} : memref<1024x1280xbf16, #tpu.memory_space<vmem>>, vector<1024x160xbf16>,
    %get3A_24 = arith.constant 3 : index
    %get3A_25 = arith.constant 0 : index
    %get3A_26 = arith.constant 0 : index
    %get3A_27 = vector.load %arg1[%get3A_24, %get3A_25, %get3A_26] : memref<8x1024x160xf32, #tpu.memory_space<vmem>>, vector<1x1024x160xf32>
    %get3A_28 = vector.shape_cast %get3A_27 : vector<1x1024x160xf32> to vector<1024x160xf32>
    %convert_element_type3A_29 = arith.truncf %get3A_28 : vector<1024x160xf32> to vector<1024x160xbf16>
    %swap3A_30 = arith.constant 0 : index
    %swap3A_31 = arith.constant 480 : index
    %swap3A_32 = vector.load %arg7[%swap3A_30, %swap3A_31] : memref<1024x1280xbf16, #tpu.memory_space<vmem>>, vector<1024x160xbf16>
    tpu.vector_store %arg7[%swap3A_30, %swap3A_31], %convert_element_type3A_29 {strides = array<i32>} : memref<1024x1280xbf16, #tpu.memory_space<vmem>>, vector<1024x160xbf16>,
    %get3A_33 = arith.constant 4 : index
    %get3A_34 = arith.constant 0 : index
    %get3A_35 = arith.constant 0 : index
    %get3A_36 = vector.load %arg1[%get3A_33, %get3A_34, %get3A_35] : memref<8x1024x160xf32, #tpu.memory_space<vmem>>, vector<1x1024x160xf32>
    %get3A_37 = vector.shape_cast %get3A_36 : vector<1x1024x160xf32> to vector<1024x160xf32>
    %convert_element_type3A_38 = arith.truncf %get3A_37 : vector<1024x160xf32> to vector<1024x160xbf16>
    %swap3A_39 = arith.constant 0 : index
    %swap3A_40 = arith.constant 640 : index
    %swap3A_41 = vector.load %arg7[%swap3A_39, %swap3A_40] : memref<1024x1280xbf16, #tpu.memory_space<vmem>>, vector<1024x160xbf16>
    tpu.vector_store %arg7[%swap3A_39, %swap3A_40], %convert_element_type3A_38 {strides = array<i32>} : memref<1024x1280xbf16, #tpu.memory_space<vmem>>, vector<1024x160xbf16>,
    %get3A_42 = arith.constant 5 : index
    %get3A_43 = arith.constant 0 : index
    %get3A_44 = arith.constant 0 : index
    %get3A_45 = vector.load %arg1[%get3A_42, %get3A_43, %get3A_44] : memref<8x1024x160xf32, #tpu.memory_space<vmem>>, vector<1x1024x160xf32>
    %get3A_46 = vector.shape_cast %get3A_45 : vector<1x1024x160xf32> to vector<1024x160xf32>
    %convert_element_type3A_47 = arith.truncf %get3A_46 : vector<1024x160xf32> to vector<1024x160xbf16>
    %swap3A_48 = arith.constant 0 : index
    %swap3A_49 = arith.constant 800 : index
    %swap3A_50 = vector.load %arg7[%swap3A_48, %swap3A_49] : memref<1024x1280xbf16, #tpu.memory_space<vmem>>, vector<1024x160xbf16>
    tpu.vector_store %arg7[%swap3A_48, %swap3A_49], %convert_element_type3A_47 {strides = array<i32>} : memref<1024x1280xbf16, #tpu.memory_space<vmem>>, vector<1024x160xbf16>,
    %get3A_51 = arith.constant 6 : index
    %get3A_52 = arith.constant 0 : index
    %get3A_53 = arith.constant 0 : index
    %get3A_54 = vector.load %arg1[%get3A_51, %get3A_52, %get3A_53] : memref<8x1024x160xf32, #tpu.memory_space<vmem>>, vector<1x1024x160xf32>
    %get3A_55 = vector.shape_cast %get3A_54 : vector<1x1024x160xf32> to vector<1024x160xf32>
    %convert_element_type3A_56 = arith.truncf %get3A_55 : vector<1024x160xf32> to vector<1024x160xbf16>
    %swap3A_57 = arith.constant 0 : index
    %swap3A_58 = arith.constant 960 : index
    %swap3A_59 = vector.load %arg7[%swap3A_57, %swap3A_58] : memref<1024x1280xbf16, #tpu.memory_space<vmem>>, vector<1024x160xbf16>
    tpu.vector_store %arg7[%swap3A_57, %swap3A_58], %convert_element_type3A_56 {strides = array<i32>} : memref<1024x1280xbf16, #tpu.memory_space<vmem>>, vector<1024x160xbf16>,
    %get3A_60 = arith.constant 7 : index
    %get3A_61 = arith.constant 0 : index
    %get3A_62 = arith.constant 0 : index
    %get3A_63 = vector.load %arg1[%get3A_60, %get3A_61, %get3A_62] : memref<8x1024x160xf32, #tpu.memory_space<vmem>>, vector<1x1024x160xf32>
    %get3A_64 = vector.shape_cast %get3A_63 : vector<1x1024x160xf32> to vector<1024x160xf32>
    %convert_element_type3A_65 = arith.truncf %get3A_64 : vector<1024x160xf32> to vector<1024x160xbf16>
    %swap3A_66 = arith.constant 0 : index
    %swap3A_67 = arith.constant 1120 : index
    %swap3A_68 = vector.load %arg7[%swap3A_66, %swap3A_67] : memref<1024x1280xbf16, #tpu.memory_space<vmem>>, vector<1024x160xbf16>
    tpu.vector_store %arg7[%swap3A_66, %swap3A_67], %convert_element_type3A_65 {strides = array<i32>} : memref<1024x1280xbf16, #tpu.memory_space<vmem>>, vector<1024x160xbf16>,
    %get3A_69 = arith.constant 0 : index
    %get3A_70 = arith.constant 0 : index
    %get3A_71 = vector.load %arg7[%get3A_69, %get3A_70] : memref<1024x1280xbf16, #tpu.memory_space<vmem>>, vector<1024x1280xbf16>
    %get3A_72 = arith.constant 0 : index
    %get3A_73 = arith.constant 0 : index
    %get3A_74 = vector.load %arg2[%get3A_72, %get3A_73] : memref<1280x1024xbf16, #tpu.memory_space<vmem>>, vector<1280x1024xbf16>
    %dot_general3A = arith.constant dense<0.000000e+00> : vector<1024x1024xf32>
    %dot_general3A_75 = tpu.matmul %get3A_71, %get3A_74, %dot_general3A {dimension_numbers = #tpu.dot_dimension_numbers<[1], [0], [0], [1], [0, 0, 1, 1], [], []>, transpose_lhs_hint = false} : vector<1024x1280xbf16>, vector<1280x1024xbf16>, vector<1024x1024xf32> -> vector<1024x1024xf32>
    %get3A_76 = arith.constant 0 : index
    %get3A_77 = arith.constant 0 : index
    %get3A_78 = vector.load %arg3[%get3A_76, %get3A_77] : memref<1x1024xf32, #tpu.memory_space<vmem>>, vector<1x1024xf32>
    %add3A = vector.broadcast %get3A_78 : vector<1x1024xf32> to vector<1024x1024xf32>
    %add3A_79 = arith.addf %dot_general3A_75, %add3A : vector<1024x1024xf32>
    %max3A = arith.constant 0.000000e+00 : f32
    %max3A_80 = vector.broadcast %max3A : f32 to vector<1024x1024xf32>
    %max3A_81 = arith.maximumf %add3A_79, %max3A_80 : vector<1024x1024xf32>
    %convert_element_type3A_82 = arith.truncf %max3A_81 : vector<1024x1024xf32> to vector<1024x1024xbf16>
    %get3A_83 = arith.constant 0 : index
    %get3A_84 = arith.constant 0 : index
    %get3A_85 = vector.load %arg4[%get3A_83, %get3A_84] : memref<1024x512xbf16, #tpu.memory_space<vmem>>, vector<1024x512xbf16>
    %dot_general3A_86 = arith.constant dense<0.000000e+00> : vector<1024x512xf32>
    %dot_general3A_87 = tpu.matmul %convert_element_type3A_82, %get3A_85, %dot_general3A_86 {dimension_numbers = #tpu.dot_dimension_numbers<[1], [0], [0], [1], [0, 0, 1, 1], [], []>, transpose_lhs_hint = false} : vector<1024x1024xbf16>, vector<1024x512xbf16>, vector<1024x512xf32> -> vector<1024x512xf32>
    %get3A_88 = arith.constant 0 : index
    %get3A_89 = arith.constant 0 : index
    %get3A_90 = vector.load %arg5[%get3A_88, %get3A_89] : memref<1x512xf32, #tpu.memory_space<vmem>>, vector<1x512xf32>
    %add3A_91 = vector.broadcast %get3A_90 : vector<1x512xf32> to vector<1024x512xf32>
    %add3A_92 = arith.addf %dot_general3A_87, %add3A_91 : vector<1024x512xf32>
    %swap3A_93 = arith.constant 0 : index
    %swap3A_94 = arith.constant 0 : index
    %swap3A_95 = vector.load %arg6[%swap3A_93, %swap3A_94] : memref<1024x512xf32, #tpu.memory_space<vmem>>, vector<1024x512xf32>
    tpu.vector_store %arg6[%swap3A_93, %swap3A_94], %add3A_92 {strides = array<i32>} : memref<1024x512xf32, #tpu.memory_space<vmem>>, vector<1024x512xf32>,
    return
  }
  func.func @transform_0(%arg0: i32) -> (i32, i32, i32) {
    %c0_i32 = arith.constant 0 : i32
    %c0_i32_0 = arith.constant 0 : i32
    %c0_i32_1 = arith.constant 0 : i32
    return %c0_i32, %arg0, %c0_i32_0 : i32, i32, i32
  }
  func.func @transform_1(%arg0: i32) -> (i32, i32) {
    %c0_i32 = arith.constant 0 : i32
    %c0_i32_0 = arith.constant 0 : i32
    %c0_i32_1 = arith.constant 0 : i32
    return %c0_i32, %c0_i32_0 : i32, i32
  }
  func.func @transform_2(%arg0: i32) -> (i32, i32) {
    %c0_i32 = arith.constant 0 : i32
    %c0_i32_0 = arith.constant 0 : i32
    %c0_i32_1 = arith.constant 0 : i32
    return %c0_i32, %c0_i32_0 : i32, i32
  }
  func.func @transform_3(%arg0: i32) -> (i32, i32) {
    %c0_i32 = arith.constant 0 : i32
    %c0_i32_0 = arith.constant 0 : i32
    %c0_i32_1 = arith.constant 0 : i32
    return %c0_i32, %c0_i32_0 : i32, i32
  }
  func.func @transform_4(%arg0: i32) -> (i32, i32) {
    %c0_i32 = arith.constant 0 : i32
    %c0_i32_0 = arith.constant 0 : i32
    %c0_i32_1 = arith.constant 0 : i32
    return %c0_i32, %c0_i32_0 : i32, i32
  }
  func.func @transform_5(%arg0: i32) -> (i32, i32) {
    %c0_i32 = arith.constant 0 : i32
    %c0_i32_0 = arith.constant 0 : i32
    return %arg0, %c0_i32 : i32, i32
  }
}

</mosaic_0001>

<sc_bundles>
// kernel: kernel.4.cloned.1.call-start
scs
__scs_entry_jumppad:
0x0: {  	(pc) =	sbr.rel $0x88, $3  }
0x1: {  	(tag) =	ssettag $0x0;
	lr =	simm.s32 $0x1  }
0x2: {  	[smem:$0x3F95] =	sst lr;
	_ =	strace $0xD0000000  }
0x3: {  	_ = 	snop  }
0x4: {  	_ = 	snop  }
0x5: {  	_ = 	snop  }
0x6: {  	_ = 	snop  }
0x7: {  	_ = 	snop  }
__scs_overlays_trampoline_lowered:
0x8: {  	[smem:$0x3FA4] =	sst s0  }
0x9: {  	[smem:$0x3FA5] =	sst s1  }
0xa: {  	[smem:$0x3FA6] =	sst s2  }
0xb: {  	[smem:$0x3FA7] =	sst s3  }
0xc: {  	[smem:$0x3FA8] =	sst s4  }
0xd: {  	[smem:$0x3FA9] =	sst s5  }
0xe: {  	[smem:$0x3FAA] =	sst s6  }
0xf: {  	[smem:$0x3FAB] =	sst s7  }
0x10: {  	[smem:$0x3FAC] =	sst s8  }
0x11: {  	[smem:$0x3FAD] =	sst s9;
	s0 =	simm.s32 @!p0 $0x0  }
0x12: {  	s1 =	sld [smem:$0x3F93];
	s0 =	simm.s32 @p0 $0x1  }
0x13: {  	[smem:$0x3FAE] =	sst s0;
	s0 =	simm.s32 @!p1 $0x0  }
0x14: {  	s2 =	sld [smem:$0x3F92];
	s0 =	simm.s32 @p1 $0x1  }
0x15: {  	[smem:$0x3FAF] =	sst s0;
	s0 =	simm.s32 @!p2 $0x0  }
0x16: {  	s3 =	sld [smem:$0x3FDB];
	s0 =	simm.s32 @p2 $0x1  }
0x17: {  	s4 =	simm.s32 $0x1BF5;
	[smem:$0x3FB1] =	sst s0  }
0x18: {  	s0 =	sld [smem:$0x3F94];
	_ =	swait.ge [sflag:s4], $0x0  }
0x19: {  	s7 =	sld [smem:$0x3F95]  }
0x1a: {  	s8 =	sadd.s32 $0xFFFFE003, lr  }
0x1b: {  	s9 =	sadd.s32 $0xFFFFFEF7, lr;
	s5 =	simm.s32 $0xFFFFFFFF;
	p2 =	slt.u32 s8, $0xFFFFF086  }
0x1c: {  	p1 =	slt.u32 s9, $0xF7A;
	s5 =	simm.s32 @!p2 $0x0  }
0x1d: {  	s5 =	simm.s32 @p1 $0x1;
	p0 =	seq.s32 s7, s2  }
0x1e: {  	s7 =	smul.u32 @!p0 $0xF7A, s2;
	p2 =	seq.s32 @!p0 s5, $0x0  }
0x1f: {  	s9 =	smul.u32 $0xF7A, s1;
	s8 =	simm.s32 @!p0 $0x1BF5;
	p2 =	por !p2, p0  }
0x20: {  	[sflag:s8] =	ssyncset.s32 @!p0 $0xFFFFF086;
	s6 =	sadd.s32 @!p0 s3, s7;
	s7 =	simm.s32 @!p0 $0x108  }
0x21: {  	s3 =	sadd.s32 s3, s9;
	s6 =	sadd.s32 @!p0 $0x88, s6;
	s7 =	simm.s32 @p2 $0x1082  }
0x22: {  	[simem:s7], [sflag:s8] =	dma.local @!p0 [hbm:s6], $0xF7A  }
0x23: {  	s9 =	sor.u32 $0xD0000000, s2;
	s6 =	simm.s32 $0x108;
	_ =	swait.ge @!p0 [sflag:s8], $0x0  }
0x24: {  	s3 =	sadd.s32 $0x88, s3;
	s6 =	simm.s32 @!p1 $0x1082;
	[sflag:s4] =	ssyncset.s32 $0xFFFFF086  }
0x25: {  	[simem:s6], [sflag:s4] =	dma.local [hbm:s3], $0xF7A  }
0x26: {  	[smem:$0x3F95] =	sst s1;
	(tag) =	ssettag s2;
	_ =	strace s9  }
0x27: {  	s1 =	sld [smem:$0x3FA5]  }
0x28: {  	s2 =	sld [smem:$0x3FA6]  }
0x29: {  	s4 =	sld [smem:$0x3FA8]  }
0x2a: {  	p0 =	seq.s32 s5, $0x0;
	s5 =	sld [smem:$0x3FA9]  }
0x2b: {  	s6 =	sld [smem:$0x3FAA]  }
0x2c: {  	s7 =	sld [smem:$0x3FAB]  }
0x2d: {  	s3 =	simm.s32 $0x108;
	s8 =	sld [smem:$0x3FAC]  }
0x2e: {  	s3 =	simm.s32 @!p0 $0x1082;
	s9 =	sld [smem:$0x3FAD]  }
0x2f: {  	lr =	sadd.s32 s0, s3;
	s0 =	sld [smem:$0x3FA4]  }
0x30: {  	s3 =	sld [smem:$0x3FA7]  }
0x31: {  	[smem:$0x3FB0] =	sst s10  }
0x32: {  	s10 =	sld [smem:$0x3FAE];
	_ =	sdelay $0x3  }
0x33: {  	p0 =	seq.s32 s10, $0x1;
	s10 =	sld [smem:$0x3FB0];
	_ =	sdelay $0x3  }
0x34: {  	[smem:$0x3FB0] =	sst s10  }
0x35: {  	s10 =	sld [smem:$0x3FAF];
	_ =	sdelay $0x3  }
0x36: {  	p1 =	seq.s32 s10, $0x1;
	s10 =	sld [smem:$0x3FB0];
	_ =	sdelay $0x3  }
0x37: {  	[smem:$0x3FB0] =	sst s10  }
0x38: {  	s10 =	sld [smem:$0x3FB1]  }
0x39: {  	_ = 	snop;
	(pc) =	sbr.ind lr, $3  }
0x3a: {  	_ = 	snop  }
0x3b: {  	_ = 	snop  }
0x3c: {  	p2 =	seq.s32 s10, $0x1;
	s10 =	sld [smem:$0x3FB0]  }
0x3d: {  	_ =	shalt  }
0x3e: {  	_ =	shalt  }
0x3f: {  	_ =	shalt  }
0x40: {  	_ =	shalt  }
0x41: {  	_ =	shalt  }
0x42: {  	_ =	shalt  }
0x43: {  	_ =	shalt  }
0x44: {  	_ =	shalt  }
0x45: {  	_ =	shalt  }
0x46: {  	_ =	shalt  }
0x47: {  	_ =	shalt  }
0x48: {  	_ =	shalt  }
0x49: {  	_ =	shalt  }
0x4a: {  	_ =	shalt  }
0x4b: {  	_ =	shalt  }
0x4c: {  	_ =	shalt  }
0x4d: {  	_ =	shalt  }
0x4e: {  	_ =	shalt  }
0x4f: {  	_ =	shalt  }
0x50: {  	_ =	shalt  }
0x51: {  	_ =	shalt  }
0x52: {  	_ =	shalt  }
0x53: {  	_ =	shalt  }
0x54: {  	_ =	shalt  }
0x55: {  	_ =	shalt  }
0x56: {  	_ =	shalt  }
0x57: {  	_ =	shalt  }
0x58: {  	_ =	shalt  }
0x59: {  	_ =	shalt  }
0x5a: {  	_ =	shalt  }
0x5b: {  	_ =	shalt  }
0x5c: {  	_ =	shalt  }
0x5d: {  	_ =	shalt  }
0x5e: {  	_ =	shalt  }
0x5f: {  	_ =	shalt  }
0x60: {  	_ =	shalt  }
0x61: {  	_ =	shalt  }
0x62: {  	_ =	shalt  }
0x63: {  	_ =	shalt  }
0x64: {  	_ =	shalt  }
0x65: {  	_ =	shalt  }
0x66: {  	_ =	shalt  }
0x67: {  	_ =	shalt  }
0x68: {  	_ =	shalt  }
0x69: {  	_ =	shalt  }
0x6a: {  	_ =	shalt  }
0x6b: {  	_ =	shalt  }
0x6c: {  	_ =	shalt  }
0x6d: {  	_ =	shalt  }
0x6e: {  	_ =	shalt  }
0x6f: {  	_ =	shalt  }
0x70: {  	_ =	shalt  }
0x71: {  	_ =	shalt  }
0x72: {  	_ =	shalt  }
0x73: {  	_ =	shalt  }
0x74: {  	_ =	shalt  }
0x75: {  	_ =	shalt  }
0x76: {  	_ =	shalt  }
0x77: {  	_ =	shalt  }
0x78: {  	_ =	shalt  }
0x79: {  	_ =	shalt  }
0x7a: {  	_ =	shalt  }
0x7b: {  	_ =	shalt  }
0x7c: {  	_ =	shalt  }
0x7d: {  	_ =	shalt  }
0x7e: {  	_ =	shalt  }
0x7f: {  	_ =	shalt  }
0x80: {  	_ =	shalt  }
0x81: {  	_ =	shalt  }
0x82: {  	_ =	shalt  }
0x83: {  	_ =	shalt  }
0x84: {  	_ =	shalt  }
0x85: {  	_ =	shalt  }
0x86: {  	_ =	shalt  }
0x87: {  	_ =	shalt  }
.Lfunc_end0:
.L_simem_size_0:
called_computation_lowered:
.L_overlay_start_0:
0x88: {  	s2 =	sld [smem:$0x3FD9]  }
0x89: {  	s3 =	sld [smem:$0x3FFE];
	_ =	sdelay $0x1  }
0x8a: {  	s1 =	srdreg.scid  }
0x8b: {  	s0 =	sand.u32 $0x1, s1  }
0x8c: {  	s17 =	sshll.u32 s0, $0xA;
	s2 =	sadd.s32 s3, s2  }
0x8d: {  	s2 =	sadd.s32 s2, s17  }
0x8e: {  	[smem:$0x3FBC] =	sst s2  }
0x8f: {  	_ = 	snop  }
0x90: {  	s2 =	sld [smem:$0x3FD0];
	(tm) =	ssettm $0x1  }
0x91: {  	s18 =	sld [smem:$0x3FFB];
	_ =	sdelay $0x3  }
0x92: {  	_ =	strace s18  }
0x93: {  	s3 =	sld [smem:$0x3FFC];
	_ =	sdelay $0x3  }
0x94: {  	_ =	strace s3  }
0x95: {  	s3 =	sld [smem:$0x3FFD];
	_ =	sdelay $0x3  }
0x96: {  	_ =	strace s3  }
0x97: {  	_ =	strace $0x8FFFFFFF  }
0x98: {  	s19 =	sld [smem:$0x3FDB];
	_ =	sdelay $0x1  }
0x99: {  	s4 =	simm.s32 $_scs_section_size  }
0x9a: {  	s5 =	simm.s32 $_size__tile_overlayer_lowered;
	s6 =	simm.s32 $_tile_overlayer_lowered  }
0x9b: {  	s22 =	simm.s32 $0x1BFF;
	s21 =	sshll.u32 s6, $0x1;
	s3 =	sadd.s32 s4, s19  }
0x9c: {  	s7 =	simm.s32 $0x0;
	s20 =	sshll.u32 s5, $0x1;
	s5 =	sadd.s32 s21, s3  }
0x9d: {  	[timem:s7], [sflag:s22] =	dma.local [hbm:s5], s20  }
0x9e: {  	_ =	swait.ge [sflag:s22], s20  }
0x9f: {  	s4 =	ssub.s32 $0x0, s20;
	[sflag:s22] =	ssyncset.done $0x0  }
0xa0: {  	[sflag:s22] =	ssyncadd.s32 s4;
	_ =	sdelay $0x1  }
0xa1: {  	s23 =	simm.s32 $0x1B8B  }
0xa2: {  	_ =	swait.ge [sflag:s23], $0x1  }
0xa3: {  	[sflag:s23] =	ssyncset.done $0x0  }
0xa4: {  	s25 =	simm.s32 $0x1B8E;
	s24 =	sld [smem:$0x3FFE];
	[sflag:s23] =	ssyncadd.s32 $0xFFFFFFFF  }
0xa5: {  	s26 =	simm.s32 $execute0_lowered;
	[smem:$0x3FD2] =	sst s25  }
0xa6: {  	s5 =	sshll.u32 s26, $0x1;
	_ =	strace $0x80000046;
	[dreg:$0x1] =	wrdreg $0xFFFFFFFF  }
0xa7: {  	s28 =	simm.s32 $_size_execute0_lowered;
	s3 =	sadd.s32 s3, s5;
	[dreg:$0x0] =	wrdreg $0x0  }
0xa8: {  	s5 =	sshll.u32 s28, $0x1;
	[dreg:$0x2] =	wrdreg s3  }
0xa9: {  	[dreg:$0x3] =	wrdreg s5  }
0xaa: {  	[dreg:$0x4] =	wrdreg $0xC0  }
0xab: {  	_ =	task [dreg:s7], $0x5FFFF  }
0xac: {  	[dreg:$0x1] =	wrdreg $0xFFFFFFFF  }
0xad: {  	[dreg:$0x0] =	wrdreg $0x60  }
0xae: {  	[dreg:$0x2] =	wrdreg s24  }
0xaf: {  	[dreg:$0x3] =	wrdreg s2  }
0xb0: {  	[dreg:$0x4] =	wrdreg $0x9  }
0xb1: {  	_ =	task.clear_ibuf [dreg:s7], $0x5FFFF;
	_ =	strace $0x90000046  }
0xb2: {  	s29 =	simm.s32 $0x9;
	_ =	strace $0x8000004F  }
0xb3: {  	_ =	swait.ge [sflag:s29], $0x1  }
0xb4: {  	[sflag:s29] =	ssyncadd.s32 $0xFFFFFFFF  }
0xb5: {  	_ =	strace $0x9000004F  }
0xb6: {  	_ =	sfence  }
0xb7: {  	s30 =	sld [smem:$0x0];
	_ =	sdelay $0x2  }
0xb8: {  	s31 =	sshll.u32 s1, $0xD;
	s1 =	sshrl.u32 s1, $0x2  }
0xb9: {  	s3 =	sand.u32 $0x4000, s31;
	s1 =	sadd.s32 s1, s30  }
0xba: {  	s0 =	sor.u32 s3, s0;
	s1 =	sshll.u32 s1, $0x11  }
0xbb: {  	s0 =	sor.u32 s1, s0  }
0xbc: {  	s0 =	sadd.s32 $0x8F2B, s0  }
0xbd: {  	[sflag:s0] =	ssyncadd.remote.s32 $0x1  }
0xbe: {  	_ =	sfence.sel $0xFFFF  }
0xbf: {  	[dreg:$0x0] =	wrdreg $0xFFFFFFFF;
	(pc) =	sbr.abs _section_cstart, $3  }
0xc0: {  	[dreg:$0x1] =	wrdreg $0xFFFFFFFF  }
0xc1: {  	_ =	task.clear_ibuf [dreg:s7], $0x2FFFF;
	_ =	strace $0x9FFFFFFF  }
0xc2: {  	(tm) =	ssettm $0x7FFFFFFF  }
0xc3: {  	_ =	shalt  }
tec
execute0_lowered:
.L_overlay_start_1:
0x0: {  	(tag) =	ssettag $0x1  }
0x1: {  	s5 =	rddreg [dreg:$0x0]  }
0x2: {  	s1 =	rddreg [dreg:$0x1]  }
0x3: {  	s2 =	srdreg.scid;
	s0 =	rddreg [dreg:$0x2];
	s3 =	simm.s32 $0x0  }
0x4: {  	s10 =	simm.s32 $0xF80;
	s11 =	simm.s32 $0x0;
	s4 =	sand.u32 $0x1, s2  }
0x5: {  	s2 =	stileid.u32;
	[smem:$0x7FF] =	sst s3;
	s6 =	sshll.u32 s4, $0x4  }
0x6: {  	s7 =	ssub.s32 $0x2, s4;
	_ =	strace $0x80000047;
	s6 =	sor.u32 s2, s6  }
0x7: {  	s4 =	sadd.s32 $0x1800, s5;
	s8 =	sshrl.u32 s7, $0x1;
	s9 =	smul.u32 $0x2800, s6  }
0x8: {  	s5 =	sadd.s32 $0x1A00, s5;
	s8 =	ssub.s32 s7, s8;
	s6 =	smul.u32 $0x140, s6  }
0x9: {  	s8 =	smax.u32 s8, $0x1;
	s7 =	sadd.s32 s1, s9;
	s9 =	simm.s32 $0x5  }
.LBB2_1:
0xa: {  	[tilespmem:s3], [sflag:$0x5] =	stream.linear.gather [hbm4b:s4+s3], $0xF80, $0x38;
	[tilespmem:$0x2180] =	vst v63  }
0xb: {  	_ =	swait.ge [sflag:s9], $0xF80  }
0xc: {  	[sflag:s9] =	ssyncset.done $0x0  }
0xd: {  	s13 =	simm.s32 $0x0;
	s12 =	simm.s32 $0x0;
	[sflag:s9] =	ssyncadd.s32 $0xFFFFF080  }
0xe: {  	s14 =	simm.s32 $0x0;
	s15 =	simm.s32 $0x0;
	_ =	strace $0x80000048  }
0xf: {  	[tilespmem:s10], [sflag:$0x1] =	stream.linear.gather [hbm4b:s7+s3], $0x100, $0x200038;
	[tilespmem:$0x2180] =	vst v63  }
0x10: {  	s16 =	simm.s32 $0x1;
	s17 =	simm.s32 $0x0;
	_ =	strace $0x90000048  }
.LBB2_2:
0x11: {  	s22 =	smov.u32 s13;
	s13 =	sadd.s32 $0x1, s13  }
0x12: {  	p0 =	seq.s32 s13, $0x140  }
0x13: {  	s13 =	simm.s32 @p0 $0x0  }
0x14: {  	p6 =	sne.s32 s17, $0x13F;
	p1 =	sne.s32 s22, s13  }
0x15: {  	p0 =	por !p6, !p1  }
0x16: {  	p0 =	por !p0, !p0  }
0x17: {  	s19 =	sadd.s32 @p0 s6, s13  }
0x18: {  	s18 =	sand.u32 @p0 $0x1, s16;
	_ =	strace @p0 $0x80000049;
	s19 =	sshll.u32 @p0 s19, $0x5  }
0x19: {  	s21 =	simm.s32 @p0 $0x0;
	s20 =	sshll.u32 @p0 s18, $0x8;
	s19 =	sand.u32 @p0 $0x1FFFFFE0, s19  }
0x1a: {  	s18 =	sadd.s32 @p0 $0x1, s18;
	s20 =	sadd.s32 @p0 $0xF80, s20;
	s19 =	sadd.s32 @p0 s1, s19  }
0x1b: {  	[tilespmem:s20], [sflag:s18] =	stream.linear.gather @p0 [hbm4b:s19+s21], $0x100, $0x200038;
	[tilespmem:$0x2180] =	vst v63  }
0x1c: {  	s28 =	sand.u32 $0x1, s15;
	_ =	strace @p0 $0x90000049  }
0x1d: {  	s18 =	sadd.s32 $0x1, s28;
	_ =	strace $0x8000004A  }
0x1e: {  	_ =	swait.ge [sflag:s18], $0x100  }
0x1f: {  	[sflag:s18] =	ssyncset.done $0x0  }
0x20: {  	s29 =	sshll.u32 s15, $0x8;
	[sflag:s18] =	ssyncadd.s32 $0xFFFFFF00  }
0x21: {  	s18 =	sand.u32 $0x100, s29;
	_ =	strace $0x9000004A  }
0x22: {  	s20 =	sadd.s32 $0xF80, s18;
	_ =	strace $0x8000004B  }
0x23: {  	v0 =	vld [tilespmem:s20+$0x0];
	_ =	sdelay $0x4  }
0x24: {  	v0 =	vshll.u32 v0, $0x3;
	_ =	sdelay $0x4  }
0x25: {  	s18 =	sand.u32 $0x1, s14;
	v1 =	vld.idx.msk [tilespmem:v0+s3+$0x0], $0xffff  }
0x26: {  	s21 =	simm.s32 $0x0;
	s30 =	sshll.u32 s18, $0xB;
	v2 =	vor.u32 $0x1, v0  }
0x27: {  	s23 =	sand.u32 $0x400, s21;
	s19 =	sor.u32 $0x1180, s30  }
0x28: {  	s24 =	sand.u32 $0x70, s21;
	s23 =	sadd.s32 s23, s19  }
0x29: {  	s23 =	sadd.s32 s24, s23  }
0x2a: {  	[tilespmem:s23+$0x0] =	vst v1  }
0x2b: {  	v1 =	vld.idx.msk [tilespmem:v2+s3+$0x0], $0xffff  }
0x2c: {  	v2 =	vor.u32 $0x2, v0;
	_ =	sdelay $0x3  }
0x2d: {  	[tilespmem:s23+$0x80] =	vst v1  }
0x2e: {  	v1 =	vld.idx.msk [tilespmem:v2+s3+$0x0], $0xffff  }
0x2f: {  	v2 =	vor.u32 $0x3, v0;
	_ =	sdelay $0x3  }
0x30: {  	[tilespmem:s23+$0x100] =	vst v1  }
0x31: {  	v1 =	vld.idx.msk [tilespmem:v2+s3+$0x0], $0xffff  }
0x32: {  	v2 =	vor.u32 $0x4, v0;
	_ =	sdelay $0x3  }
0x33: {  	[tilespmem:s23+$0x180] =	vst v1  }
0x34: {  	v1 =	vld.idx.msk [tilespmem:v2+s3+$0x0], $0xffff  }
0x35: {  	v2 =	vor.u32 $0x5, v0;
	_ =	sdelay $0x3  }
0x36: {  	[tilespmem:s23+$0x200] =	vst v1  }
0x37: {  	v1 =	vld.idx.msk [tilespmem:v2+s3+$0x0], $0xffff  }
0x38: {  	v2 =	vor.u32 $0x6, v0;
	_ =	sdelay $0x3  }
0x39: {  	[tilespmem:s23+$0x280] =	vst v1  }
0x3a: {  	v1 =	vld.idx.msk [tilespmem:v2+s3+$0x0], $0xffff  }
0x3b: {  	v2 =	vor.u32 $0x7, v0;
	_ =	sdelay $0x3  }
0x3c: {  	[tilespmem:s23+$0x300] =	vst v1  }
0x3d: {  	v0 =	vmov s19;
	v1 =	vld.idx.msk [tilespmem:v2+s3+$0x0], $0xffff;
	_ =	sdelay $0x2  }
0x3e: {  	s31 =	sor.u32 s21, s21  }
0x3f: {  	s22 =	sadd.s32 s6, s22;
	s24 =	sor.u32 $0x380, s31;
	s23 =	simm.s32 $0x10  }
.LBB2_3:
0x40: {  	p2 =	sne.s32 s23, $0xF0;
	[tilespmem:v0+s24+$0x0 ss:$0x1] =	vst.idx.msk $0xffff, v1;
	s21 =	sadd.s32 $0x80, s21;
	s20 =	sadd.s32 $0x10, s20  }
0x41: {  	s24 =	smov.u32 s23;
	s23 =	sadd.s32 $0x10, s23;
	v1 =	vld [tilespmem:s20+$0x0];
	_ =	sdelay $0x4  }
0x42: {  	v1 =	vshll.u32 v1, $0x3;
	_ =	sdelay $0x4  }
0x43: {  	v2 =	vld.idx.msk [tilespmem:v1+s3+$0x0], $0xffff;
	_ =	sdelay $0x1  }
0x44: {  	v3 =	vor.u32 $0x1, v1  }
0x45: {  	s25 =	sand.u32 $0x400, s21  }
0x46: {  	s26 =	sand.u32 $0x70, s24;
	s25 =	sadd.s32 s25, s19  }
0x47: {  	s25 =	sadd.s32 s26, s25  }
0x48: {  	[tilespmem:s25+$0x0] =	vst v2  }
0x49: {  	v2 =	vld.idx.msk [tilespmem:v3+s3+$0x0], $0xffff;
	_ =	sdelay $0x1  }
0x4a: {  	v3 =	vor.u32 $0x2, v1;
	_ =	sdelay $0x3  }
0x4b: {  	[tilespmem:s25+$0x80] =	vst v2  }
0x4c: {  	v2 =	vld.idx.msk [tilespmem:v3+s3+$0x0], $0xffff;
	_ =	sdelay $0x1  }
0x4d: {  	v3 =	vor.u32 $0x3, v1;
	_ =	sdelay $0x3  }
0x4e: {  	[tilespmem:s25+$0x100] =	vst v2  }
0x4f: {  	v2 =	vld.idx.msk [tilespmem:v3+s3+$0x0], $0xffff;
	_ =	sdelay $0x1  }
0x50: {  	v3 =	vor.u32 $0x4, v1;
	_ =	sdelay $0x3  }
0x51: {  	[tilespmem:s25+$0x180] =	vst v2  }
0x52: {  	v2 =	vld.idx.msk [tilespmem:v3+s3+$0x0], $0xffff;
	_ =	sdelay $0x1  }
0x53: {  	v3 =	vor.u32 $0x5, v1;
	_ =	sdelay $0x3  }
0x54: {  	[tilespmem:s25+$0x200] =	vst v2  }
0x55: {  	v2 =	vld.idx.msk [tilespmem:v3+s3+$0x0], $0xffff;
	_ =	sdelay $0x1  }
0x56: {  	v3 =	vor.u32 $0x6, v1;
	_ =	sdelay $0x3  }
0x57: {  	[tilespmem:s25+$0x280] =	vst v2  }
0x58: {  	v2 =	vld.idx.msk [tilespmem:v3+s3+$0x0], $0xffff;
	_ =	sdelay $0x1  }
0x59: {  	v1 =	vor.u32 $0x7, v1;
	_ =	sdelay $0x3  }
0x5a: {  	[tilespmem:s25+$0x300] =	vst v2  }
0x5b: {  	v1 =	vld.idx.msk [tilespmem:v1+s3+$0x0], $0xffff  }
.Ltmp0:
0x5c: {  	(pc) =	sbr.rel @p2 .LBB2_3-.Ltmp0, $3  }
0x5d: {  	_ =	sdelay $0x1  }
0x5e: {  	s24 =	sor.u32 s21, s24  }
0x5f: {  	s24 =	sor.u32 $0x380, s24  }
0x60: {  	_ =	sdelay $0x2  }
0x61: {  	p2 =	seq.s32 s17, $0x13F  }
0x62: {  	[tilespmem:v0+s24+$0x0 ss:$0x1] =	vst.idx.msk $0xffff, v1;
	p1 =	por p2, p1  }
0x63: {  	_ =	strace $0x9000004B;
	s20 =	sshll.u32 @p1 s22, $0x8  }
0x64: {  	_ =	strace @p1 $0x8000004C;
	s20 =	sand.u32 @p1 $0x1FFFFF00, s20  }
0x65: {  	s18 =	sadd.s32 @p1 $0x3, s18;
	s21 =	simm.s32 @p1 $0x0;
	s20 =	sadd.s32 @p1 s5, s20  }
0x66: {  	[hbm4b:s20+s21] =	stream.linear.scatter @p1 [tilespmem:s19], [sflag:s18], $0x800, $0x200038;
	[tilespmem:$0x2180] =	vst v63  }
0x67: {  	s18 =	simm.s32 $0x1  }
0x68: {  	s20 =	simm.s32 $0x1;
	s18 =	simm.s32 @!p0 $0x0;
	p0 =	seq.s32 s17, $0x0  }
0x69: {  	_ =	strace @p1 $0x9000004C;
	s16 =	sadd.s32 s18, s16;
	s18 =	simm.s32 $0x1  }
0x6a: {  	s18 =	simm.s32 @!p1 $0x0;
	p1 =	sne.s32 s17, $0x0;
	s17 =	sadd.s32 $0x1, s17  }
0x6b: {  	s19 =	sand.u32 @!p0 $0x1, s12;
	s20 =	simm.s32 @!p1 $0x0;
	p1 =	sne.s32 s17, $0x140  }
.Ltmp1:
0x6c: {  	_ =	strace @!p0 $0x8000004D;
	s19 =	sadd.s32 @!p0 $0x3, s19;
	(pc) =	sbr.rel @p1 .LBB2_2-.Ltmp1, $4  }
0x6d: {  	_ =	swait.ge @!p0 [sflag:s19], $0x800  }
0x6e: {  	[sflag:s19] =	ssyncset.done @!p0 $0x0  }
0x6f: {  	s14 =	sadd.s32 s18, s14;
	[sflag:s19] =	ssyncadd.s32 @!p0 $0xFFFFF800  }
0x70: {  	s15 =	sadd.s32 s18, s15;
	s12 =	sadd.s32 s20, s12;
	_ =	strace @!p0 $0x9000004D  }
0x71: {  	s11 =	sadd.s32 $0x1, s11  }
0x72: {  	s12 =	sand.u32 $0x1, s12;
	p0 =	sne.s32 s11, s8  }
.Ltmp2:
0x73: {  	_ =	strace $0x8000004E;
	s12 =	sadd.s32 $0x3, s12;
	(pc) =	sbr.rel @p0 .LBB2_1-.Ltmp2, $4  }
0x74: {  	_ =	swait.ge [sflag:s12], $0x800  }
0x75: {  	[sflag:s12] =	ssyncset.done $0x0  }
0x76: {  	[sflag:s12] =	ssyncadd.s32 $0xFFFFF800  }
0x77: {  	_ =	strace $0x9000004E  }
0x78: {  	_ =	sfence.sel $0x180000  }
0x79: {  	[bflag:$0x0] =	sbarrier.arrive $0xFFFF  }
0x7a: {  	p0 =	sne.s32 s2, $0x0;
	_ =	strace $0x90000047  }
0x7b: {  	s0 =	sadd.s32 @!p0 $0x100000, s0;
	[bflag:$0x2] =	sbarrier.arrive $0xFFFF  }
0x7c: {  	[sflag:s0] =	ssyncadd.tile.s32 @!p0 $0x1;
	_ =	shalt  }
.Lfunc_end2:
_tile_overlayer_lowered:
.L_overlay_start_2:
0x7d: {  	(tag) =	ssettag $0x2  }
0x7e: {  	s0 =	rddreg [dreg:$0x0];
	s2 =	stileid.u32  }
0x7f: {  	s1 =	rddreg [dreg:$0x1];
	p0 =	sne.s32 s2, $0x0  }
0x80: {  	s3 =	rddreg [dreg:$0x2];
	[bflag:$0x3] =	sbarrier.arrive $0xFFFF;
	s2 =	simm.s32 @!p0 $0x1C01  }
0x81: {  	[timem:s3], [sflag:s2] =	dma.local @!p0 [hbm:s0], s1  }
0x82: {  	s0 =	simm.s32 @!p0 $0x1  }
0x83: {  	_ =	swait.ge @!p0 [sflag:s0], s1  }
0x84: {  	s1 =	ssub.s32 @!p0 $0x0, s1;
	[sflag:s0] =	ssyncset.done @!p0 $0x0  }
0x85: {  	[sflag:s0] =	ssyncadd.s32 @!p0 s1  }
0x86: {  	[bflag:$0x3] =	sbarrier.arrive $0xFFFF  }
0x87: {  	_ =	shalt  }

</sc_bundles>
